<compile_context>
chip_gen: v7x
topology: tpu7x:2x2x1
jax: 0.10.2.dev20260603
libtpu: 0.0.44.dev20260713+nightly
codegen_flags: <defaults>
</compile_context>

<pallas_src>
import functools

import jax
import jax.numpy as jnp
from jax import lax
from jax.experimental import pallas as pl
from jax.experimental.pallas import tpu as pltpu
from jax.experimental.pallas import tpu_sc as plsc

_SC_CORES = 2
_SC_SUBCORES = 16
_SC_WORKERS = _SC_CORES * _SC_SUBCORES
_CHUNK = 128


def _onehot2(ids2d, k):
    a, b2 = ids2d.shape
    ids3 = jax.lax.broadcast_in_dim(ids2d, (a, b2, k), (0, 1))
    iota = jax.lax.broadcasted_iota(jnp.int32, (a, b2, k), 2)
    return (ids3 == iota).astype(jnp.float32).reshape(a * b2, k)


def _m_sc_body(nch, idx_hbm, table_hbm, out_hbm, table_v, idx_v, ssem):
    ch = idx_v.shape[1]
    wid = lax.axis_index("s") * _SC_CORES + lax.axis_index("c")
    pltpu.sync_copy(table_hbm, table_v)
    pltpu.sync_copy(idx_hbm.at[wid], idx_v)
    base = wid * (nch * ch)
    ngroups = (nch * ch) // 16

    def row_copy(s, row):
        return pltpu.make_async_copy(
            table_v.at[pl.ds(s, 1)], out_hbm.at[pl.ds(row, 1)], ssem)

    def group_body(q, _):
        c = q // (ch // 16)
        q16 = lax.rem(q, ch // 16) * 16
        idx16 = idx_v[c, pl.ds(q16, 16)]
        for r16 in range(16):
            s = idx16[r16]
            row_copy(s, base + c * ch + q16 + r16).start()

        @pl.when(q >= 2)
        def _drain_lagged():
            for _ in range(16):
                row_copy(0, base).wait()
        return 0

    lax.fori_loop(0, ngroups, group_body, 0)
    for _ in range(32):
        row_copy(0, base).wait()


def _z_body(afull_ref, ablk_ref, semb_ref, remb_ref, w_ref, b_ref, out_ref):
    l = afull_ref.shape[1]
    ib = ablk_ref.shape[2]
    na, ch = semb_ref.shape
    nr = remb_ref.shape[0]

    semb = semb_ref[...]
    s_full = jnp.dot(_onehot2(afull_ref[...], na), semb,
                     preferred_element_type=jnp.float32)
    s_blk = jnp.dot(_onehot2(ablk_ref[...].reshape(1, ib), na), semb,
                    preferred_element_type=jnp.float32)

    ptab = jnp.dot(remb_ref[...], w_ref[...],
                   preferred_element_type=jnp.float32) + b_ref[...]

    i0 = pl.program_id(0) * ib
    ivec = i0 + jax.lax.broadcasted_iota(jnp.int32, (ib, l), 0)
    jvec = jax.lax.broadcasted_iota(jnp.int32, (ib, l), 1)
    rel = jnp.clip(ivec - jvec, -32, 32) + 32
    pt = jnp.dot(_onehot2(rel, nr), ptab,
                 preferred_element_type=jnp.float32)

    zeros_i = jnp.zeros((ib, ch), jnp.float32)
    zeros_j = jnp.zeros((l, ch), jnp.float32)
    si = jnp.concatenate([s_blk, zeros_i], axis=-1)
    sj = jnp.concatenate([zeros_j, s_full], axis=-1)
    z = pt.reshape(ib, l, 2 * ch) + si[:, None, :] + sj[None, :, :]
    out_ref[...] = z.reshape(1, ib, l, 2 * ch)


def kernel(aatype, msa, msa_emb, seq_emb, relpos_emb, relpos_W, relpos_b):
    b, n, l = msa.shape
    k, cm = msa_emb.shape
    ch = seq_emb.shape[1]
    cz = 2 * ch

    aat2 = aatype.reshape(b, l).astype(jnp.int32)

    total = b * n * l
    nch = total // (_SC_WORKERS * _CHUNK)
    msa3 = msa.reshape(_SC_WORKERS, nch, _CHUNK).astype(jnp.int32)
    m_flat = pl.kernel(
        functools.partial(_m_sc_body, nch),
        out_type=jax.ShapeDtypeStruct((total, cm), jnp.float32),
        mesh=plsc.VectorSubcoreMesh(core_axis_name="c", subcore_axis_name="s"),
        scratch_types=[
            pltpu.VMEM((k, cm), jnp.float32),
            pltpu.VMEM((nch, _CHUNK), jnp.int32),
            pltpu.SemaphoreType.DMA,
        ],
    )(msa3, msa_emb)
    m = m_flat.reshape(b, n, l, cm)

    ib = 32
    z = pl.pallas_call(
        _z_body,
        grid=(l // ib,),
        in_specs=[
            pl.BlockSpec((1, l), lambda i: (0, 0)),
            pl.BlockSpec((1, 1, ib), lambda i: (i, 0, 0)),
            pl.BlockSpec((k, ch), lambda i: (0, 0)),
            pl.BlockSpec((65, ch), lambda i: (0, 0)),
            pl.BlockSpec((ch, cz), lambda i: (0, 0)),
            pl.BlockSpec((1, cz), lambda i: (0, 0)),
        ],
        out_specs=pl.BlockSpec((1, ib, l, cz), lambda i: (0, i, 0, 0)),
        out_shape=jax.ShapeDtypeStruct((1, l, l, cz), jnp.float32),
    )(aat2, aat2.reshape(b * l // ib, 1, ib), seq_emb, relpos_emb, relpos_W,
      relpos_b.reshape(1, cz))
    z = jnp.broadcast_to(z, (b, l, l, cz))

    return (m, z)

# --- scband reference (transcript-rebuilt; emitter-appended) ---
"""Pipeline reference for scband-input-embedder-26783416058532 (READ-ONLY COPY).

The authoritative reference and input builder live on the scoring server;
editing this copy changes nothing except your own understanding.
"""

import jax, jax.numpy as jnp
import numpy as np

# AlphaFold2-style config constants (module references global C)
N_AA = 21
C_M = 256
C_Z = 128
B, N, L = 1, 256, 384

def setup_inputs(seed: int = 0) -> dict:
    key = jax.random.key(seed)
    k1, k2, k3, k4, k5, k6, k7 = jax.random.split(key, 7)
    aatype = jax.random.randint(k1, (B, L), 0, N_AA + 1, dtype=jnp.int64 if jax.config.jax_enable_x64 else jnp.int32)
    msa = jax.random.randint(k2, (B, N, L), 0, N_AA + 1, dtype=jnp.int64 if jax.config.jax_enable_x64 else jnp.int32)
    msa_emb = jax.random.normal(k3, (N_AA + 1, C_M), dtype=jnp.float32)
    seq_emb = jax.random.normal(k4, (N_AA + 1, C_Z // 2), dtype=jnp.float32)
    relpos_emb = jax.random.normal(k5, (65, C_Z // 2), dtype=jnp.float32)
    relpos_W = jax.random.normal(k6, (C_Z // 2, C_Z), dtype=jnp.float32) / np.sqrt(C_Z // 2)
    relpos_b = jnp.zeros((C_Z,), dtype=jnp.float32)
    return {"aatype": aatype, "msa": msa, "msa_emb": msa_emb, "seq_emb": seq_emb,
            "relpos_emb": relpos_emb, "relpos_W": relpos_W, "relpos_b": relpos_b}

def reference(aatype, msa, msa_emb, seq_emb, relpos_emb, relpos_W, relpos_b):
    b, n, l = msa.shape
    # MSA embedding lookup -> (B, N, L, c_m)
    m = jnp.take(msa_emb, msa, axis=0)
    # sequence embedding -> (B, L, c_z//2)
    seq_feat = jnp.take(seq_emb, aatype, axis=0)
    # outer broadcast into pair representation
    zi = jnp.broadcast_to(seq_feat[:, :, None, :], (b, l, l, seq_feat.shape[-1]))
    zj = jnp.broadcast_to(seq_feat[:, None, :, :], (b, l, l, seq_feat.shape[-1]))
    z = jnp.concatenate([zi, zj], axis=-1)  # (B, L, L, c_z)
    # relative position encoding
    idx = jnp.arange(l)
    rel = jnp.clip(idx[:, None] - idx[None, :], -32, 32) + 32  # (L, L)
    rel_feat = jnp.take(relpos_emb, rel, axis=0)  # (L, L, c_z//2)
    proj = jnp.dot(rel_feat, relpos_W) + relpos_b  # (L, L, c_z)
    z = z + proj[None, :, :, :]
    return (m, z)

if __name__ == "__main__":
    import jax
    _d = setup_inputs()
    print(jax.jit(kernel)(*tuple(_d.values())))

</pallas_src>

<mosaic_0001>
#map = affine_map<(d0, d1) -> (0, 0, 0)>
#map1 = affine_map<(d0, d1) -> (0, 0)>
module attributes {stable_mosaic.version = 14 : i64} {
  func.func @_m_sc_body(%arg0: i32, %arg1: i32, %arg2: memref<32x24x128xi32, #tpu.memory_space<hbm>>, %arg3: memref<22x256xf32, #tpu.memory_space<hbm>>, %arg4: memref<98304x256xf32, #tpu.memory_space<hbm>>, %arg5: memref<22x256xf32, #tpu.memory_space<vmem>>, %arg6: memref<24x128xi32, #tpu.memory_space<vmem>>, %arg7: memref<!tpu.dma_semaphore, #tpu.memory_space<semaphore_mem>>) attributes {dimension_semantics = [#tpu.dimension_semantics<core_parallel>, #tpu.dimension_semantics<subcore_parallel>], iteration_bounds = array<i64: 2, 16>, scalar_prefetch = 0 : i64, scratch_operands = 3 : i64, tpu.core_type = #tpu.core_type<sc_vector_subcore>, window_params = [{transform_indices = #map}, {transform_indices = #map1}, {transform_indices = #map1}]} {
    %mul3A = arith.constant 2 : i32
    %mul3A_0 = arith.muli %arg1, %mul3A : i32
    %add3A = arith.addi %mul3A_0, %arg0 : i32
    "tpu.region"() ({
      %run_scoped3A = tpu.sem_alloc : memref<!tpu.dma_semaphore, #tpu.memory_space<semaphore_mem>>
      tpu.enqueue_dma source(%arg3 : memref<22x256xf32, #tpu.memory_space<hbm>>) target(%arg5 : memref<22x256xf32, #tpu.memory_space<vmem>>) target_semaphore(%run_scoped3A : memref<!tpu.dma_semaphore, #tpu.memory_space<semaphore_mem>>)
      tpu.wait_dma2 semaphore(%run_scoped3A : memref<!tpu.dma_semaphore, #tpu.memory_space<semaphore_mem>>) src(%arg3 : memref<22x256xf32, #tpu.memory_space<hbm>>) dst(%arg5 : memref<22x256xf32, #tpu.memory_space<vmem>>)
      tpu.yield
    }) : () -> ()
    "tpu.region"() ({
      %run_scoped3A = tpu.sem_alloc : memref<!tpu.dma_semaphore, #tpu.memory_space<semaphore_mem>>
      %dma_start3A = arith.constant 0 : i32
      %dma_start3A_328 = arith.constant 0 : i32
      %dma_start3A_329 = tpu.memref_slice %arg2[%add3A, %dma_start3A, %dma_start3A_328] : memref<32x24x128xi32, #tpu.memory_space<hbm>> -> memref<1x24x128xi32, #tpu.memory_space<hbm>>
      %dma_start3A_330 = tpu.memref_squeeze %dma_start3A_329 : memref<1x24x128xi32, #tpu.memory_space<hbm>> -> memref<24x128xi32, #tpu.memory_space<hbm>>
      %dma_start3A_331 = arith.constant 0 : i32
      %dma_start3A_332 = arith.constant 0 : i32
      %dma_start3A_333 = tpu.memref_slice %arg2[%add3A, %dma_start3A_331, %dma_start3A_332] : memref<32x24x128xi32, #tpu.memory_space<hbm>> -> memref<1x24x128xi32, #tpu.memory_space<hbm>>
      %dma_start3A_334 = tpu.memref_squeeze %dma_start3A_333 : memref<1x24x128xi32, #tpu.memory_space<hbm>> -> memref<24x128xi32, #tpu.memory_space<hbm>>
      tpu.enqueue_dma source(%dma_start3A_334 : memref<24x128xi32, #tpu.memory_space<hbm>>) target(%arg6 : memref<24x128xi32, #tpu.memory_space<vmem>>) target_semaphore(%run_scoped3A : memref<!tpu.dma_semaphore, #tpu.memory_space<semaphore_mem>>)
      %dma_wait3A_335 = arith.constant 0 : i32
      %dma_wait3A_336 = arith.constant 0 : i32
      %dma_wait3A_337 = tpu.memref_slice %arg2[%add3A, %dma_wait3A_335, %dma_wait3A_336] : memref<32x24x128xi32, #tpu.memory_space<hbm>> -> memref<1x24x128xi32, #tpu.memory_space<hbm>>
      %dma_wait3A_338 = tpu.memref_squeeze %dma_wait3A_337 : memref<1x24x128xi32, #tpu.memory_space<hbm>> -> memref<24x128xi32, #tpu.memory_space<hbm>>
      %dma_wait3A_339 = arith.constant 0 : i32
      %dma_wait3A_340 = arith.constant 0 : i32
      %dma_wait3A_341 = tpu.memref_slice %arg2[%add3A, %dma_wait3A_339, %dma_wait3A_340] : memref<32x24x128xi32, #tpu.memory_space<hbm>> -> memref<1x24x128xi32, #tpu.memory_space<hbm>>
      %dma_wait3A_342 = tpu.memref_squeeze %dma_wait3A_341 : memref<1x24x128xi32, #tpu.memory_space<hbm>> -> memref<24x128xi32, #tpu.memory_space<hbm>>
      tpu.wait_dma2 semaphore(%run_scoped3A : memref<!tpu.dma_semaphore, #tpu.memory_space<semaphore_mem>>) src(%dma_wait3A_342 : memref<24x128xi32, #tpu.memory_space<hbm>>) dst(%arg6 : memref<24x128xi32, #tpu.memory_space<vmem>>)
      tpu.yield
    }) : () -> ()
    %mul3A_1 = arith.constant 3072 : i32
    %mul3A_2 = arith.muli %add3A, %mul3A_1 : i32
    %scan3A = arith.constant 0 : i32
    %scan3A_3 = arith.constant 0 : i32
    %scan3A_4 = arith.constant 192 : i32
    %scan3A_5 = arith.addi %scan3A_3, %scan3A_4 : i32
    %scan3A_6 = arith.constant 1 : i32
    %scan3A_7 = scf.for %scan3A_328 = %scan3A_3 to %scan3A_5 step %scan3A_6 iter_args(%scan3A_329 = %scan3A) -> (i32)  : i32 {
      %jit3A = arith.constant 8 : i32
      %div3A = arith.divsi %scan3A_328, %jit3A : i32
      %sign3A = arith.constant 0 : i32
      %sign3A_330 = arith.cmpi sgt, %scan3A_328, %sign3A : i32
      %sign3A_331 = arith.extui %sign3A_330 : i1 to i32
      %sign3A_332 = arith.constant 0 : i32
      %sign3A_333 = arith.cmpi slt, %scan3A_328, %sign3A_332 : i32
      %sign3A_334 = arith.extui %sign3A_333 : i1 to i32
      %sign3A_335 = arith.subi %sign3A_331, %sign3A_334 : i32
      %sign3A_336 = arith.constant 0 : i32
      %sign3A_337 = arith.cmpi sgt, %jit3A, %sign3A_336 : i32
      %sign3A_338 = arith.extui %sign3A_337 : i1 to i32
      %sign3A_339 = arith.constant 0 : i32
      %sign3A_340 = arith.cmpi slt, %jit3A, %sign3A_339 : i32
      %sign3A_341 = arith.extui %sign3A_340 : i1 to i32
      %sign3A_342 = arith.subi %sign3A_338, %sign3A_341 : i32
      %ne3A = arith.cmpi ne, %sign3A_335, %sign3A_342 : i32
      %rem3A = arith.remsi %scan3A_328, %jit3A : i32
      %ne3A_343 = arith.constant 0 : i32
      %ne3A_344 = arith.cmpi ne, %rem3A, %ne3A_343 : i32
      %and3A = arith.andi %ne3A, %ne3A_344 : i1
      %sub3A = arith.constant 1 : i32
      %sub3A_345 = arith.subi %div3A, %sub3A : i32
      %select_n3A = arith.select %and3A, %sub3A_345, %div3A : i32
      %rem3A_346 = arith.constant 8 : i32
      %rem3A_347 = arith.remsi %scan3A_328, %rem3A_346 : i32
      %mul3A_348 = arith.constant 16 : i32
      %mul3A_349 = arith.muli %rem3A_347, %mul3A_348 : i32
      %get3A = arith.index_cast %select_n3A : i32 to index
      %get3A_350 = arith.index_cast %mul3A_349 : i32 to index
      %get3A_351 = tpu.vector_load %arg6[%get3A, %get3A_350] {strides = array<i32>} : memref<24x128xi32, #tpu.memory_space<vmem>>, vector<1x16xi32>,
      %get3A_352 = vector.shape_cast %get3A_351 : vector<1x16xi32> to vector<16xi32>
      %slice3A = vector.extract_strided_slice %get3A_352 {offsets = [0], sizes = [1], strides = [1]} : vector<16xi32> to vector<1xi32>
      %squeeze3A = vector.extract %slice3A[0] : i32 from vector<1xi32>
      %mul3A_353 = arith.constant 128 : i32
      %mul3A_354 = arith.muli %select_n3A, %mul3A_353 : i32
      %add3A_355 = arith.addi %mul3A_2, %mul3A_354 : i32
      %add3A_356 = arith.addi %add3A_355, %mul3A_349 : i32
      %add3A_357 = arith.constant 0 : i32
      %add3A_358 = arith.addi %add3A_356, %add3A_357 : i32
      %dma_start3A = arith.constant 0 : i32
      %dma_start3A_359 = tpu.memref_slice %arg5[%squeeze3A, %dma_start3A] : memref<22x256xf32, #tpu.memory_space<vmem>> -> memref<1x256xf32, #tpu.memory_space<vmem>>
      %dma_start3A_360 = arith.constant 0 : i32
      %dma_start3A_361 = tpu.memref_slice %arg4[%add3A_358, %dma_start3A_360] : memref<98304x256xf32, #tpu.memory_space<hbm>> -> memref<1x256xf32, #tpu.memory_space<hbm>>
      %dma_start3A_362 = arith.constant 0 : i32
      %dma_start3A_363 = tpu.memref_slice %arg4[%add3A_358, %dma_start3A_362] : memref<98304x256xf32, #tpu.memory_space<hbm>> -> memref<1x256xf32, #tpu.memory_space<hbm>>
      %dma_start3A_364 = arith.constant 0 : i32
      %dma_start3A_365 = tpu.memref_slice %arg5[%squeeze3A, %dma_start3A_364] : memref<22x256xf32, #tpu.memory_space<vmem>> -> memref<1x256xf32, #tpu.memory_space<vmem>>
      tpu.enqueue_dma source(%dma_start3A_365 : memref<1x256xf32, #tpu.memory_space<vmem>>) target(%dma_start3A_363 : memref<1x256xf32, #tpu.memory_space<hbm>>) target_semaphore(%arg7 : memref<!tpu.dma_semaphore, #tpu.memory_space<semaphore_mem>>)
      %slice3A_366 = vector.extract_strided_slice %get3A_352 {offsets = [1], sizes = [1], strides = [1]} : vector<16xi32> to vector<1xi32>
      %squeeze3A_367 = vector.extract %slice3A_366[0] : i32 from vector<1xi32>
      %mul3A_368 = arith.constant 128 : i32
      %mul3A_369 = arith.muli %select_n3A, %mul3A_368 : i32
      %add3A_370 = arith.addi %mul3A_2, %mul3A_369 : i32
      %add3A_371 = arith.addi %add3A_370, %mul3A_349 : i32
      %add3A_372 = arith.constant 1 : i32
      %add3A_373 = arith.addi %add3A_371, %add3A_372 : i32
      %dma_start3A_374 = arith.constant 0 : i32
      %dma_start3A_375 = tpu.memref_slice %arg5[%squeeze3A_367, %dma_start3A_374] : memref<22x256xf32, #tpu.memory_space<vmem>> -> memref<1x256xf32, #tpu.memory_space<vmem>>
      %dma_start3A_376 = arith.constant 0 : i32
      %dma_start3A_377 = tpu.memref_slice %arg4[%add3A_373, %dma_start3A_376] : memref<98304x256xf32, #tpu.memory_space<hbm>> -> memref<1x256xf32, #tpu.memory_space<hbm>>
      %dma_start3A_378 = arith.constant 0 : i32
      %dma_start3A_379 = tpu.memref_slice %arg4[%add3A_373, %dma_start3A_378] : memref<98304x256xf32, #tpu.memory_space<hbm>> -> memref<1x256xf32, #tpu.memory_space<hbm>>
      %dma_start3A_380 = arith.constant 0 : i32
      %dma_start3A_381 = tpu.memref_slice %arg5[%squeeze3A_367, %dma_start3A_380] : memref<22x256xf32, #tpu.memory_space<vmem>> -> memref<1x256xf32, #tpu.memory_space<vmem>>
      tpu.enqueue_dma source(%dma_start3A_381 : memref<1x256xf32, #tpu.memory_space<vmem>>) target(%dma_start3A_379 : memref<1x256xf32, #tpu.memory_space<hbm>>) target_semaphore(%arg7 : memref<!tpu.dma_semaphore, #tpu.memory_space<semaphore_mem>>)
      %slice3A_382 = vector.extract_strided_slice %get3A_352 {offsets = [2], sizes = [1], strides = [1]} : vector<16xi32> to vector<1xi32>
      %squeeze3A_383 = vector.extract %slice3A_382[0] : i32 from vector<1xi32>
      %mul3A_384 = arith.constant 128 : i32
      %mul3A_385 = arith.muli %select_n3A, %mul3A_384 : i32
      %add3A_386 = arith.addi %mul3A_2, %mul3A_385 : i32
      %add3A_387 = arith.addi %add3A_386, %mul3A_349 : i32
      %add3A_388 = arith.constant 2 : i32
      %add3A_389 = arith.addi %add3A_387, %add3A_388 : i32
      %dma_start3A_390 = arith.constant 0 : i32
      %dma_start3A_391 = tpu.memref_slice %arg5[%squeeze3A_383, %dma_start3A_390] : memref<22x256xf32, #tpu.memory_space<vmem>> -> memref<1x256xf32, #tpu.memory_space<vmem>>
      %dma_start3A_392 = arith.constant 0 : i32
      %dma_start3A_393 = tpu.memref_slice %arg4[%add3A_389, %dma_start3A_392] : memref<98304x256xf32, #tpu.memory_space<hbm>> -> memref<1x256xf32, #tpu.memory_space<hbm>>
      %dma_start3A_394 = arith.constant 0 : i32
      %dma_start3A_395 = tpu.memref_slice %arg4[%add3A_389, %dma_start3A_394] : memref<98304x256xf32, #tpu.memory_space<hbm>> -> memref<1x256xf32, #tpu.memory_space<hbm>>
      %dma_start3A_396 = arith.constant 0 : i32
      %dma_start3A_397 = tpu.memref_slice %arg5[%squeeze3A_383, %dma_start3A_396] : memref<22x256xf32, #tpu.memory_space<vmem>> -> memref<1x256xf32, #tpu.memory_space<vmem>>
      tpu.enqueue_dma source(%dma_start3A_397 : memref<1x256xf32, #tpu.memory_space<vmem>>) target(%dma_start3A_395 : memref<1x256xf32, #tpu.memory_space<hbm>>) target_semaphore(%arg7 : memref<!tpu.dma_semaphore, #tpu.memory_space<semaphore_mem>>)
      %slice3A_398 = vector.extract_strided_slice %get3A_352 {offsets = [3], sizes = [1], strides = [1]} : vector<16xi32> to vector<1xi32>
      %squeeze3A_399 = vector.extract %slice3A_398[0] : i32 from vector<1xi32>
      %mul3A_400 = arith.constant 128 : i32
      %mul3A_401 = arith.muli %select_n3A, %mul3A_400 : i32
      %add3A_402 = arith.addi %mul3A_2, %mul3A_401 : i32
      %add3A_403 = arith.addi %add3A_402, %mul3A_349 : i32
      %add3A_404 = arith.constant 3 : i32
      %add3A_405 = arith.addi %add3A_403, %add3A_404 : i32
      %dma_start3A_406 = arith.constant 0 : i32
      %dma_start3A_407 = tpu.memref_slice %arg5[%squeeze3A_399, %dma_start3A_406] : memref<22x256xf32, #tpu.memory_space<vmem>> -> memref<1x256xf32, #tpu.memory_space<vmem>>
      %dma_start3A_408 = arith.constant 0 : i32
      %dma_start3A_409 = tpu.memref_slice %arg4[%add3A_405, %dma_start3A_408] : memref<98304x256xf32, #tpu.memory_space<hbm>> -> memref<1x256xf32, #tpu.memory_space<hbm>>
      %dma_start3A_410 = arith.constant 0 : i32
      %dma_start3A_411 = tpu.memref_slice %arg4[%add3A_405, %dma_start3A_410] : memref<98304x256xf32, #tpu.memory_space<hbm>> -> memref<1x256xf32, #tpu.memory_space<hbm>>
      %dma_start3A_412 = arith.constant 0 : i32
      %dma_start3A_413 = tpu.memref_slice %arg5[%squeeze3A_399, %dma_start3A_412] : memref<22x256xf32, #tpu.memory_space<vmem>> -> memref<1x256xf32, #tpu.memory_space<vmem>>
      tpu.enqueue_dma source(%dma_start3A_413 : memref<1x256xf32, #tpu.memory_space<vmem>>) target(%dma_start3A_411 : memref<1x256xf32, #tpu.memory_space<hbm>>) target_semaphore(%arg7 : memref<!tpu.dma_semaphore, #tpu.memory_space<semaphore_mem>>)
      %slice3A_414 = vector.extract_strided_slice %get3A_352 {offsets = [4], sizes = [1], strides = [1]} : vector<16xi32> to vector<1xi32>
      %squeeze3A_415 = vector.extract %slice3A_414[0] : i32 from vector<1xi32>
      %mul3A_416 = arith.constant 128 : i32
      %mul3A_417 = arith.muli %select_n3A, %mul3A_416 : i32
      %add3A_418 = arith.addi %mul3A_2, %mul3A_417 : i32
      %add3A_419 = arith.addi %add3A_418, %mul3A_349 : i32
      %add3A_420 = arith.constant 4 : i32
      %add3A_421 = arith.addi %add3A_419, %add3A_420 : i32
      %dma_start3A_422 = arith.constant 0 : i32
      %dma_start3A_423 = tpu.memref_slice %arg5[%squeeze3A_415, %dma_start3A_422] : memref<22x256xf32, #tpu.memory_space<vmem>> -> memref<1x256xf32, #tpu.memory_space<vmem>>
      %dma_start3A_424 = arith.constant 0 : i32
      %dma_start3A_425 = tpu.memref_slice %arg4[%add3A_421, %dma_start3A_424] : memref<98304x256xf32, #tpu.memory_space<hbm>> -> memref<1x256xf32, #tpu.memory_space<hbm>>
      %dma_start3A_426 = arith.constant 0 : i32
      %dma_start3A_427 = tpu.memref_slice %arg4[%add3A_421, %dma_start3A_426] : memref<98304x256xf32, #tpu.memory_space<hbm>> -> memref<1x256xf32, #tpu.memory_space<hbm>>
      %dma_start3A_428 = arith.constant 0 : i32
      %dma_start3A_429 = tpu.memref_slice %arg5[%squeeze3A_415, %dma_start3A_428] : memref<22x256xf32, #tpu.memory_space<vmem>> -> memref<1x256xf32, #tpu.memory_space<vmem>>
      tpu.enqueue_dma source(%dma_start3A_429 : memref<1x256xf32, #tpu.memory_space<vmem>>) target(%dma_start3A_427 : memref<1x256xf32, #tpu.memory_space<hbm>>) target_semaphore(%arg7 : memref<!tpu.dma_semaphore, #tpu.memory_space<semaphore_mem>>)
      %slice3A_430 = vector.extract_strided_slice %get3A_352 {offsets = [5], sizes = [1], strides = [1]} : vector<16xi32> to vector<1xi32>
      %squeeze3A_431 = vector.extract %slice3A_430[0] : i32 from vector<1xi32>
      %mul3A_432 = arith.constant 128 : i32
      %mul3A_433 = arith.muli %select_n3A, %mul3A_432 : i32
      %add3A_434 = arith.addi %mul3A_2, %mul3A_433 : i32
      %add3A_435 = arith.addi %add3A_434, %mul3A_349 : i32
      %add3A_436 = arith.constant 5 : i32
      %add3A_437 = arith.addi %add3A_435, %add3A_436 : i32
      %dma_start3A_438 = arith.constant 0 : i32
      %dma_start3A_439 = tpu.memref_slice %arg5[%squeeze3A_431, %dma_start3A_438] : memref<22x256xf32, #tpu.memory_space<vmem>> -> memref<1x256xf32, #tpu.memory_space<vmem>>
      %dma_start3A_440 = arith.constant 0 : i32
      %dma_start3A_441 = tpu.memref_slice %arg4[%add3A_437, %dma_start3A_440] : memref<98304x256xf32, #tpu.memory_space<hbm>> -> memref<1x256xf32, #tpu.memory_space<hbm>>
      %dma_start3A_442 = arith.constant 0 : i32
      %dma_start3A_443 = tpu.memref_slice %arg4[%add3A_437, %dma_start3A_442] : memref<98304x256xf32, #tpu.memory_space<hbm>> -> memref<1x256xf32, #tpu.memory_space<hbm>>
      %dma_start3A_444 = arith.constant 0 : i32
      %dma_start3A_445 = tpu.memref_slice %arg5[%squeeze3A_431, %dma_start3A_444] : memref<22x256xf32, #tpu.memory_space<vmem>> -> memref<1x256xf32, #tpu.memory_space<vmem>>
      tpu.enqueue_dma source(%dma_start3A_445 : memref<1x256xf32, #tpu.memory_space<vmem>>) target(%dma_start3A_443 : memref<1x256xf32, #tpu.memory_space<hbm>>) target_semaphore(%arg7 : memref<!tpu.dma_semaphore, #tpu.memory_space<semaphore_mem>>)
      %slice3A_446 = vector.extract_strided_slice %get3A_352 {offsets = [6], sizes = [1], strides = [1]} : vector<16xi32> to vector<1xi32>
      %squeeze3A_447 = vector.extract %slice3A_446[0] : i32 from vector<1xi32>
      %mul3A_448 = arith.constant 128 : i32
      %mul3A_449 = arith.muli %select_n3A, %mul3A_448 : i32
      %add3A_450 = arith.addi %mul3A_2, %mul3A_449 : i32
      %add3A_451 = arith.addi %add3A_450, %mul3A_349 : i32
      %add3A_452 = arith.constant 6 : i32
      %add3A_453 = arith.addi %add3A_451, %add3A_452 : i32
      %dma_start3A_454 = arith.constant 0 : i32
      %dma_start3A_455 = tpu.memref_slice %arg5[%squeeze3A_447, %dma_start3A_454] : memref<22x256xf32, #tpu.memory_space<vmem>> -> memref<1x256xf32, #tpu.memory_space<vmem>>
      %dma_start3A_456 = arith.constant 0 : i32
      %dma_start3A_457 = tpu.memref_slice %arg4[%add3A_453, %dma_start3A_456] : memref<98304x256xf32, #tpu.memory_space<hbm>> -> memref<1x256xf32, #tpu.memory_space<hbm>>
      %dma_start3A_458 = arith.constant 0 : i32
      %dma_start3A_459 = tpu.memref_slice %arg4[%add3A_453, %dma_start3A_458] : memref<98304x256xf32, #tpu.memory_space<hbm>> -> memref<1x256xf32, #tpu.memory_space<hbm>>
      %dma_start3A_460 = arith.constant 0 : i32
      %dma_start3A_461 = tpu.memref_slice %arg5[%squeeze3A_447, %dma_start3A_460] : memref<22x256xf32, #tpu.memory_space<vmem>> -> memref<1x256xf32, #tpu.memory_space<vmem>>
      tpu.enqueue_dma source(%dma_start3A_461 : memref<1x256xf32, #tpu.memory_space<vmem>>) target(%dma_start3A_459 : memref<1x256xf32, #tpu.memory_space<hbm>>) target_semaphore(%arg7 : memref<!tpu.dma_semaphore, #tpu.memory_space<semaphore_mem>>)
      %slice3A_462 = vector.extract_strided_slice %get3A_352 {offsets = [7], sizes = [1], strides = [1]} : vector<16xi32> to vector<1xi32>
      %squeeze3A_463 = vector.extract %slice3A_462[0] : i32 from vector<1xi32>
      %mul3A_464 = arith.constant 128 : i32
      %mul3A_465 = arith.muli %select_n3A, %mul3A_464 : i32
      %add3A_466 = arith.addi %mul3A_2, %mul3A_465 : i32
      %add3A_467 = arith.addi %add3A_466, %mul3A_349 : i32
      %add3A_468 = arith.constant 7 : i32
      %add3A_469 = arith.addi %add3A_467, %add3A_468 : i32
      %dma_start3A_470 = arith.constant 0 : i32
      %dma_start3A_471 = tpu.memref_slice %arg5[%squeeze3A_463, %dma_start3A_470] : memref<22x256xf32, #tpu.memory_space<vmem>> -> memref<1x256xf32, #tpu.memory_space<vmem>>
      %dma_start3A_472 = arith.constant 0 : i32
      %dma_start3A_473 = tpu.memref_slice %arg4[%add3A_469, %dma_start3A_472] : memref<98304x256xf32, #tpu.memory_space<hbm>> -> memref<1x256xf32, #tpu.memory_space<hbm>>
      %dma_start3A_474 = arith.constant 0 : i32
      %dma_start3A_475 = tpu.memref_slice %arg4[%add3A_469, %dma_start3A_474] : memref<98304x256xf32, #tpu.memory_space<hbm>> -> memref<1x256xf32, #tpu.memory_space<hbm>>
      %dma_start3A_476 = arith.constant 0 : i32
      %dma_start3A_477 = tpu.memref_slice %arg5[%squeeze3A_463, %dma_start3A_476] : memref<22x256xf32, #tpu.memory_space<vmem>> -> memref<1x256xf32, #tpu.memory_space<vmem>>
      tpu.enqueue_dma source(%dma_start3A_477 : memref<1x256xf32, #tpu.memory_space<vmem>>) target(%dma_start3A_475 : memref<1x256xf32, #tpu.memory_space<hbm>>) target_semaphore(%arg7 : memref<!tpu.dma_semaphore, #tpu.memory_space<semaphore_mem>>)
      %slice3A_478 = vector.extract_strided_slice %get3A_352 {offsets = [8], sizes = [1], strides = [1]} : vector<16xi32> to vector<1xi32>
      %squeeze3A_479 = vector.extract %slice3A_478[0] : i32 from vector<1xi32>
      %mul3A_480 = arith.constant 128 : i32
      %mul3A_481 = arith.muli %select_n3A, %mul3A_480 : i32
      %add3A_482 = arith.addi %mul3A_2, %mul3A_481 : i32
      %add3A_483 = arith.addi %add3A_482, %mul3A_349 : i32
      %add3A_484 = arith.constant 8 : i32
      %add3A_485 = arith.addi %add3A_483, %add3A_484 : i32
      %dma_start3A_486 = arith.constant 0 : i32
      %dma_start3A_487 = tpu.memref_slice %arg5[%squeeze3A_479, %dma_start3A_486] : memref<22x256xf32, #tpu.memory_space<vmem>> -> memref<1x256xf32, #tpu.memory_space<vmem>>
      %dma_start3A_488 = arith.constant 0 : i32
      %dma_start3A_489 = tpu.memref_slice %arg4[%add3A_485, %dma_start3A_488] : memref<98304x256xf32, #tpu.memory_space<hbm>> -> memref<1x256xf32, #tpu.memory_space<hbm>>
      %dma_start3A_490 = arith.constant 0 : i32
      %dma_start3A_491 = tpu.memref_slice %arg4[%add3A_485, %dma_start3A_490] : memref<98304x256xf32, #tpu.memory_space<hbm>> -> memref<1x256xf32, #tpu.memory_space<hbm>>
      %dma_start3A_492 = arith.constant 0 : i32
      %dma_start3A_493 = tpu.memref_slice %arg5[%squeeze3A_479, %dma_start3A_492] : memref<22x256xf32, #tpu.memory_space<vmem>> -> memref<1x256xf32, #tpu.memory_space<vmem>>
      tpu.enqueue_dma source(%dma_start3A_493 : memref<1x256xf32, #tpu.memory_space<vmem>>) target(%dma_start3A_491 : memref<1x256xf32, #tpu.memory_space<hbm>>) target_semaphore(%arg7 : memref<!tpu.dma_semaphore, #tpu.memory_space<semaphore_mem>>)
      %slice3A_494 = vector.extract_strided_slice %get3A_352 {offsets = [9], sizes = [1], strides = [1]} : vector<16xi32> to vector<1xi32>
      %squeeze3A_495 = vector.extract %slice3A_494[0] : i32 from vector<1xi32>
      %mul3A_496 = arith.constant 128 : i32
      %mul3A_497 = arith.muli %select_n3A, %mul3A_496 : i32
      %add3A_498 = arith.addi %mul3A_2, %mul3A_497 : i32
      %add3A_499 = arith.addi %add3A_498, %mul3A_349 : i32
      %add3A_500 = arith.constant 9 : i32
      %add3A_501 = arith.addi %add3A_499, %add3A_500 : i32
      %dma_start3A_502 = arith.constant 0 : i32
      %dma_start3A_503 = tpu.memref_slice %arg5[%squeeze3A_495, %dma_start3A_502] : memref<22x256xf32, #tpu.memory_space<vmem>> -> memref<1x256xf32, #tpu.memory_space<vmem>>
      %dma_start3A_504 = arith.constant 0 : i32
      %dma_start3A_505 = tpu.memref_slice %arg4[%add3A_501, %dma_start3A_504] : memref<98304x256xf32, #tpu.memory_space<hbm>> -> memref<1x256xf32, #tpu.memory_space<hbm>>
      %dma_start3A_506 = arith.constant 0 : i32
      %dma_start3A_507 = tpu.memref_slice %arg4[%add3A_501, %dma_start3A_506] : memref<98304x256xf32, #tpu.memory_space<hbm>> -> memref<1x256xf32, #tpu.memory_space<hbm>>
      %dma_start3A_508 = arith.constant 0 : i32
      %dma_start3A_509 = tpu.memref_slice %arg5[%squeeze3A_495, %dma_start3A_508] : memref<22x256xf32, #tpu.memory_space<vmem>> -> memref<1x256xf32, #tpu.memory_space<vmem>>
      tpu.enqueue_dma source(%dma_start3A_509 : memref<1x256xf32, #tpu.memory_space<vmem>>) target(%dma_start3A_507 : memref<1x256xf32, #tpu.memory_space<hbm>>) target_semaphore(%arg7 : memref<!tpu.dma_semaphore, #tpu.memory_space<semaphore_mem>>)
      %slice3A_510 = vector.extract_strided_slice %get3A_352 {offsets = [10], sizes = [1], strides = [1]} : vector<16xi32> to vector<1xi32>
      %squeeze3A_511 = vector.extract %slice3A_510[0] : i32 from vector<1xi32>
      %mul3A_512 = arith.constant 128 : i32
      %mul3A_513 = arith.muli %select_n3A, %mul3A_512 : i32
      %add3A_514 = arith.addi %mul3A_2, %mul3A_513 : i32
      %add3A_515 = arith.addi %add3A_514, %mul3A_349 : i32
      %add3A_516 = arith.constant 10 : i32
      %add3A_517 = arith.addi %add3A_515, %add3A_516 : i32
      %dma_start3A_518 = arith.constant 0 : i32
      %dma_start3A_519 = tpu.memref_slice %arg5[%squeeze3A_511, %dma_start3A_518] : memref<22x256xf32, #tpu.memory_space<vmem>> -> memref<1x256xf32, #tpu.memory_space<vmem>>
      %dma_start3A_520 = arith.constant 0 : i32
      %dma_start3A_521 = tpu.memref_slice %arg4[%add3A_517, %dma_start3A_520] : memref<98304x256xf32, #tpu.memory_space<hbm>> -> memref<1x256xf32, #tpu.memory_space<hbm>>
      %dma_start3A_522 = arith.constant 0 : i32
      %dma_start3A_523 = tpu.memref_slice %arg4[%add3A_517, %dma_start3A_522] : memref<98304x256xf32, #tpu.memory_space<hbm>> -> memref<1x256xf32, #tpu.memory_space<hbm>>
      %dma_start3A_524 = arith.constant 0 : i32
      %dma_start3A_525 = tpu.memref_slice %arg5[%squeeze3A_511, %dma_start3A_524] : memref<22x256xf32, #tpu.memory_space<vmem>> -> memref<1x256xf32, #tpu.memory_space<vmem>>
      tpu.enqueue_dma source(%dma_start3A_525 : memref<1x256xf32, #tpu.memory_space<vmem>>) target(%dma_start3A_523 : memref<1x256xf32, #tpu.memory_space<hbm>>) target_semaphore(%arg7 : memref<!tpu.dma_semaphore, #tpu.memory_space<semaphore_mem>>)
      %slice3A_526 = vector.extract_strided_slice %get3A_352 {offsets = [11], sizes = [1], strides = [1]} : vector<16xi32> to vector<1xi32>
      %squeeze3A_527 = vector.extract %slice3A_526[0] : i32 from vector<1xi32>
      %mul3A_528 = arith.constant 128 : i32
      %mul3A_529 = arith.muli %select_n3A, %mul3A_528 : i32
      %add3A_530 = arith.addi %mul3A_2, %mul3A_529 : i32
      %add3A_531 = arith.addi %add3A_530, %mul3A_349 : i32
      %add3A_532 = arith.constant 11 : i32
      %add3A_533 = arith.addi %add3A_531, %add3A_532 : i32
      %dma_start3A_534 = arith.constant 0 : i32
      %dma_start3A_535 = tpu.memref_slice %arg5[%squeeze3A_527, %dma_start3A_534] : memref<22x256xf32, #tpu.memory_space<vmem>> -> memref<1x256xf32, #tpu.memory_space<vmem>>
      %dma_start3A_536 = arith.constant 0 : i32
      %dma_start3A_537 = tpu.memref_slice %arg4[%add3A_533, %dma_start3A_536] : memref<98304x256xf32, #tpu.memory_space<hbm>> -> memref<1x256xf32, #tpu.memory_space<hbm>>
      %dma_start3A_538 = arith.constant 0 : i32
      %dma_start3A_539 = tpu.memref_slice %arg4[%add3A_533, %dma_start3A_538] : memref<98304x256xf32, #tpu.memory_space<hbm>> -> memref<1x256xf32, #tpu.memory_space<hbm>>
      %dma_start3A_540 = arith.constant 0 : i32
      %dma_start3A_541 = tpu.memref_slice %arg5[%squeeze3A_527, %dma_start3A_540] : memref<22x256xf32, #tpu.memory_space<vmem>> -> memref<1x256xf32, #tpu.memory_space<vmem>>
      tpu.enqueue_dma source(%dma_start3A_541 : memref<1x256xf32, #tpu.memory_space<vmem>>) target(%dma_start3A_539 : memref<1x256xf32, #tpu.memory_space<hbm>>) target_semaphore(%arg7 : memref<!tpu.dma_semaphore, #tpu.memory_space<semaphore_mem>>)
      %slice3A_542 = vector.extract_strided_slice %get3A_352 {offsets = [12], sizes = [1], strides = [1]} : vector<16xi32> to vector<1xi32>
      %squeeze3A_543 = vector.extract %slice3A_542[0] : i32 from vector<1xi32>
      %mul3A_544 = arith.constant 128 : i32
      %mul3A_545 = arith.muli %select_n3A, %mul3A_544 : i32
      %add3A_546 = arith.addi %mul3A_2, %mul3A_545 : i32
      %add3A_547 = arith.addi %add3A_546, %mul3A_349 : i32
      %add3A_548 = arith.constant 12 : i32
      %add3A_549 = arith.addi %add3A_547, %add3A_548 : i32
      %dma_start3A_550 = arith.constant 0 : i32
      %dma_start3A_551 = tpu.memref_slice %arg5[%squeeze3A_543, %dma_start3A_550] : memref<22x256xf32, #tpu.memory_space<vmem>> -> memref<1x256xf32, #tpu.memory_space<vmem>>
      %dma_start3A_552 = arith.constant 0 : i32
      %dma_start3A_553 = tpu.memref_slice %arg4[%add3A_549, %dma_start3A_552] : memref<98304x256xf32, #tpu.memory_space<hbm>> -> memref<1x256xf32, #tpu.memory_space<hbm>>
      %dma_start3A_554 = arith.constant 0 : i32
      %dma_start3A_555 = tpu.memref_slice %arg4[%add3A_549, %dma_start3A_554] : memref<98304x256xf32, #tpu.memory_space<hbm>> -> memref<1x256xf32, #tpu.memory_space<hbm>>
      %dma_start3A_556 = arith.constant 0 : i32
      %dma_start3A_557 = tpu.memref_slice %arg5[%squeeze3A_543, %dma_start3A_556] : memref<22x256xf32, #tpu.memory_space<vmem>> -> memref<1x256xf32, #tpu.memory_space<vmem>>
      tpu.enqueue_dma source(%dma_start3A_557 : memref<1x256xf32, #tpu.memory_space<vmem>>) target(%dma_start3A_555 : memref<1x256xf32, #tpu.memory_space<hbm>>) target_semaphore(%arg7 : memref<!tpu.dma_semaphore, #tpu.memory_space<semaphore_mem>>)
      %slice3A_558 = vector.extract_strided_slice %get3A_352 {offsets = [13], sizes = [1], strides = [1]} : vector<16xi32> to vector<1xi32>
      %squeeze3A_559 = vector.extract %slice3A_558[0] : i32 from vector<1xi32>
      %mul3A_560 = arith.constant 128 : i32
      %mul3A_561 = arith.muli %select_n3A, %mul3A_560 : i32
      %add3A_562 = arith.addi %mul3A_2, %mul3A_561 : i32
      %add3A_563 = arith.addi %add3A_562, %mul3A_349 : i32
      %add3A_564 = arith.constant 13 : i32
      %add3A_565 = arith.addi %add3A_563, %add3A_564 : i32
      %dma_start3A_566 = arith.constant 0 : i32
      %dma_start3A_567 = tpu.memref_slice %arg5[%squeeze3A_559, %dma_start3A_566] : memref<22x256xf32, #tpu.memory_space<vmem>> -> memref<1x256xf32, #tpu.memory_space<vmem>>
      %dma_start3A_568 = arith.constant 0 : i32
      %dma_start3A_569 = tpu.memref_slice %arg4[%add3A_565, %dma_start3A_568] : memref<98304x256xf32, #tpu.memory_space<hbm>> -> memref<1x256xf32, #tpu.memory_space<hbm>>
      %dma_start3A_570 = arith.constant 0 : i32
      %dma_start3A_571 = tpu.memref_slice %arg4[%add3A_565, %dma_start3A_570] : memref<98304x256xf32, #tpu.memory_space<hbm>> -> memref<1x256xf32, #tpu.memory_space<hbm>>
      %dma_start3A_572 = arith.constant 0 : i32
      %dma_start3A_573 = tpu.memref_slice %arg5[%squeeze3A_559, %dma_start3A_572] : memref<22x256xf32, #tpu.memory_space<vmem>> -> memref<1x256xf32, #tpu.memory_space<vmem>>
      tpu.enqueue_dma source(%dma_start3A_573 : memref<1x256xf32, #tpu.memory_space<vmem>>) target(%dma_start3A_571 : memref<1x256xf32, #tpu.memory_space<hbm>>) target_semaphore(%arg7 : memref<!tpu.dma_semaphore, #tpu.memory_space<semaphore_mem>>)
      %slice3A_574 = vector.extract_strided_slice %get3A_352 {offsets = [14], sizes = [1], strides = [1]} : vector<16xi32> to vector<1xi32>
      %squeeze3A_575 = vector.extract %slice3A_574[0] : i32 from vector<1xi32>
      %mul3A_576 = arith.constant 128 : i32
      %mul3A_577 = arith.muli %select_n3A, %mul3A_576 : i32
      %add3A_578 = arith.addi %mul3A_2, %mul3A_577 : i32
      %add3A_579 = arith.addi %add3A_578, %mul3A_349 : i32
      %add3A_580 = arith.constant 14 : i32
      %add3A_581 = arith.addi %add3A_579, %add3A_580 : i32
      %dma_start3A_582 = arith.constant 0 : i32
      %dma_start3A_583 = tpu.memref_slice %arg5[%squeeze3A_575, %dma_start3A_582] : memref<22x256xf32, #tpu.memory_space<vmem>> -> memref<1x256xf32, #tpu.memory_space<vmem>>
      %dma_start3A_584 = arith.constant 0 : i32
      %dma_start3A_585 = tpu.memref_slice %arg4[%add3A_581, %dma_start3A_584] : memref<98304x256xf32, #tpu.memory_space<hbm>> -> memref<1x256xf32, #tpu.memory_space<hbm>>
      %dma_start3A_586 = arith.constant 0 : i32
      %dma_start3A_587 = tpu.memref_slice %arg4[%add3A_581, %dma_start3A_586] : memref<98304x256xf32, #tpu.memory_space<hbm>> -> memref<1x256xf32, #tpu.memory_space<hbm>>
      %dma_start3A_588 = arith.constant 0 : i32
      %dma_start3A_589 = tpu.memref_slice %arg5[%squeeze3A_575, %dma_start3A_588] : memref<22x256xf32, #tpu.memory_space<vmem>> -> memref<1x256xf32, #tpu.memory_space<vmem>>
      tpu.enqueue_dma source(%dma_start3A_589 : memref<1x256xf32, #tpu.memory_space<vmem>>) target(%dma_start3A_587 : memref<1x256xf32, #tpu.memory_space<hbm>>) target_semaphore(%arg7 : memref<!tpu.dma_semaphore, #tpu.memory_space<semaphore_mem>>)
      %slice3A_590 = vector.extract_strided_slice %get3A_352 {offsets = [15], sizes = [1], strides = [1]} : vector<16xi32> to vector<1xi32>
      %squeeze3A_591 = vector.extract %slice3A_590[0] : i32 from vector<1xi32>
      %mul3A_592 = arith.constant 128 : i32
      %mul3A_593 = arith.muli %select_n3A, %mul3A_592 : i32
      %add3A_594 = arith.addi %mul3A_2, %mul3A_593 : i32
      %add3A_595 = arith.addi %add3A_594, %mul3A_349 : i32
      %add3A_596 = arith.constant 15 : i32
      %add3A_597 = arith.addi %add3A_595, %add3A_596 : i32
      %dma_start3A_598 = arith.constant 0 : i32
      %dma_start3A_599 = tpu.memref_slice %arg5[%squeeze3A_591, %dma_start3A_598] : memref<22x256xf32, #tpu.memory_space<vmem>> -> memref<1x256xf32, #tpu.memory_space<vmem>>
      %dma_start3A_600 = arith.constant 0 : i32
      %dma_start3A_601 = tpu.memref_slice %arg4[%add3A_597, %dma_start3A_600] : memref<98304x256xf32, #tpu.memory_space<hbm>> -> memref<1x256xf32, #tpu.memory_space<hbm>>
      %dma_start3A_602 = arith.constant 0 : i32
      %dma_start3A_603 = tpu.memref_slice %arg4[%add3A_597, %dma_start3A_602] : memref<98304x256xf32, #tpu.memory_space<hbm>> -> memref<1x256xf32, #tpu.memory_space<hbm>>
      %dma_start3A_604 = arith.constant 0 : i32
      %dma_start3A_605 = tpu.memref_slice %arg5[%squeeze3A_591, %dma_start3A_604] : memref<22x256xf32, #tpu.memory_space<vmem>> -> memref<1x256xf32, #tpu.memory_space<vmem>>
      tpu.enqueue_dma source(%dma_start3A_605 : memref<1x256xf32, #tpu.memory_space<vmem>>) target(%dma_start3A_603 : memref<1x256xf32, #tpu.memory_space<hbm>>) target_semaphore(%arg7 : memref<!tpu.dma_semaphore, #tpu.memory_space<semaphore_mem>>)
      %ge3A = arith.constant 2 : i32
      %ge3A_606 = arith.cmpi sge, %scan3A_328, %ge3A : i32
      %convert_element_type3A = arith.extui %ge3A_606 : i1 to i32
      %cond3A = arith.constant 0 : i32
      %cond3A_607 = arith.cmpi ne, %convert_element_type3A, %cond3A : i32
      scf.if %cond3A_607 {
        %dma_wait3A_609 = arith.constant 0 : i32
        %dma_wait3A_610 = arith.constant 0 : i32
        %dma_wait3A_611 = tpu.memref_slice %arg5[%dma_wait3A_609, %dma_wait3A_610] : memref<22x256xf32, #tpu.memory_space<vmem>> -> memref<1x256xf32, #tpu.memory_space<vmem>>
        %dma_wait3A_612 = arith.constant 0 : i32
        %dma_wait3A_613 = tpu.memref_slice %arg4[%mul3A_2, %dma_wait3A_612] : memref<98304x256xf32, #tpu.memory_space<hbm>> -> memref<1x256xf32, #tpu.memory_space<hbm>>
        %dma_wait3A_614 = arith.constant 0 : i32
        %dma_wait3A_615 = tpu.memref_slice %arg4[%mul3A_2, %dma_wait3A_614] : memref<98304x256xf32, #tpu.memory_space<hbm>> -> memref<1x256xf32, #tpu.memory_space<hbm>>
        %dma_wait3A_616 = arith.constant 0 : i32
        %dma_wait3A_617 = arith.constant 0 : i32
        %dma_wait3A_618 = tpu.memref_slice %arg5[%dma_wait3A_616, %dma_wait3A_617] : memref<22x256xf32, #tpu.memory_space<vmem>> -> memref<1x256xf32, #tpu.memory_space<vmem>>
        tpu.wait_dma2 semaphore(%arg7 : memref<!tpu.dma_semaphore, #tpu.memory_space<semaphore_mem>>) src(%dma_wait3A_618 : memref<1x256xf32, #tpu.memory_space<vmem>>) dst(%dma_wait3A_615 : memref<1x256xf32, #tpu.memory_space<hbm>>)
        %dma_wait3A_619 = arith.constant 0 : i32
        %dma_wait3A_620 = arith.constant 0 : i32
        %dma_wait3A_621 = tpu.memref_slice %arg5[%dma_wait3A_619, %dma_wait3A_620] : memref<22x256xf32, #tpu.memory_space<vmem>> -> memref<1x256xf32, #tpu.memory_space<vmem>>
        %dma_wait3A_622 = arith.constant 0 : i32
        %dma_wait3A_623 = tpu.memref_slice %arg4[%mul3A_2, %dma_wait3A_622] : memref<98304x256xf32, #tpu.memory_space<hbm>> -> memref<1x256xf32, #tpu.memory_space<hbm>>
        %dma_wait3A_624 = arith.constant 0 : i32
        %dma_wait3A_625 = tpu.memref_slice %arg4[%mul3A_2, %dma_wait3A_624] : memref<98304x256xf32, #tpu.memory_space<hbm>> -> memref<1x256xf32, #tpu.memory_space<hbm>>
        %dma_wait3A_626 = arith.constant 0 : i32
        %dma_wait3A_627 = arith.constant 0 : i32
        %dma_wait3A_628 = tpu.memref_slice %arg5[%dma_wait3A_626, %dma_wait3A_627] : memref<22x256xf32, #tpu.memory_space<vmem>> -> memref<1x256xf32, #tpu.memory_space<vmem>>
        tpu.wait_dma2 semaphore(%arg7 : memref<!tpu.dma_semaphore, #tpu.memory_space<semaphore_mem>>) src(%dma_wait3A_628 : memref<1x256xf32, #tpu.memory_space<vmem>>) dst(%dma_wait3A_625 : memref<1x256xf32, #tpu.memory_space<hbm>>)
        %dma_wait3A_629 = arith.constant 0 : i32
        %dma_wait3A_630 = arith.constant 0 : i32
        %dma_wait3A_631 = tpu.memref_slice %arg5[%dma_wait3A_629, %dma_wait3A_630] : memref<22x256xf32, #tpu.memory_space<vmem>> -> memref<1x256xf32, #tpu.memory_space<vmem>>
        %dma_wait3A_632 = arith.constant 0 : i32
        %dma_wait3A_633 = tpu.memref_slice %arg4[%mul3A_2, %dma_wait3A_632] : memref<98304x256xf32, #tpu.memory_space<hbm>> -> memref<1x256xf32, #tpu.memory_space<hbm>>
        %dma_wait3A_634 = arith.constant 0 : i32
        %dma_wait3A_635 = tpu.memref_slice %arg4[%mul3A_2, %dma_wait3A_634] : memref<98304x256xf32, #tpu.memory_space<hbm>> -> memref<1x256xf32, #tpu.memory_space<hbm>>
        %dma_wait3A_636 = arith.constant 0 : i32
        %dma_wait3A_637 = arith.constant 0 : i32
        %dma_wait3A_638 = tpu.memref_slice %arg5[%dma_wait3A_636, %dma_wait3A_637] : memref<22x256xf32, #tpu.memory_space<vmem>> -> memref<1x256xf32, #tpu.memory_space<vmem>>
        tpu.wait_dma2 semaphore(%arg7 : memref<!tpu.dma_semaphore, #tpu.memory_space<semaphore_mem>>) src(%dma_wait3A_638 : memref<1x256xf32, #tpu.memory_space<vmem>>) dst(%dma_wait3A_635 : memref<1x256xf32, #tpu.memory_space<hbm>>)
        %dma_wait3A_639 = arith.constant 0 : i32
        %dma_wait3A_640 = arith.constant 0 : i32
        %dma_wait3A_641 = tpu.memref_slice %arg5[%dma_wait3A_639, %dma_wait3A_640] : memref<22x256xf32, #tpu.memory_space<vmem>> -> memref<1x256xf32, #tpu.memory_space<vmem>>
        %dma_wait3A_642 = arith.constant 0 : i32
        %dma_wait3A_643 = tpu.memref_slice %arg4[%mul3A_2, %dma_wait3A_642] : memref<98304x256xf32, #tpu.memory_space<hbm>> -> memref<1x256xf32, #tpu.memory_space<hbm>>
        %dma_wait3A_644 = arith.constant 0 : i32
        %dma_wait3A_645 = tpu.memref_slice %arg4[%mul3A_2, %dma_wait3A_644] : memref<98304x256xf32, #tpu.memory_space<hbm>> -> memref<1x256xf32, #tpu.memory_space<hbm>>
        %dma_wait3A_646 = arith.constant 0 : i32
        %dma_wait3A_647 = arith.constant 0 : i32
        %dma_wait3A_648 = tpu.memref_slice %arg5[%dma_wait3A_646, %dma_wait3A_647] : memref<22x256xf32, #tpu.memory_space<vmem>> -> memref<1x256xf32, #tpu.memory_space<vmem>>
        tpu.wait_dma2 semaphore(%arg7 : memref<!tpu.dma_semaphore, #tpu.memory_space<semaphore_mem>>) src(%dma_wait3A_648 : memref<1x256xf32, #tpu.memory_space<vmem>>) dst(%dma_wait3A_645 : memref<1x256xf32, #tpu.memory_space<hbm>>)
        %dma_wait3A_649 = arith.constant 0 : i32
        %dma_wait3A_650 = arith.constant 0 : i32
        %dma_wait3A_651 = tpu.memref_slice %arg5[%dma_wait3A_649, %dma_wait3A_650] : memref<22x256xf32, #tpu.memory_space<vmem>> -> memref<1x256xf32, #tpu.memory_space<vmem>>
        %dma_wait3A_652 = arith.constant 0 : i32
        %dma_wait3A_653 = tpu.memref_slice %arg4[%mul3A_2, %dma_wait3A_652] : memref<98304x256xf32, #tpu.memory_space<hbm>> -> memref<1x256xf32, #tpu.memory_space<hbm>>
        %dma_wait3A_654 = arith.constant 0 : i32
        %dma_wait3A_655 = tpu.memref_slice %arg4[%mul3A_2, %dma_wait3A_654] : memref<98304x256xf32, #tpu.memory_space<hbm>> -> memref<1x256xf32, #tpu.memory_space<hbm>>
        %dma_wait3A_656 = arith.constant 0 : i32
        %dma_wait3A_657 = arith.constant 0 : i32
        %dma_wait3A_658 = tpu.memref_slice %arg5[%dma_wait3A_656, %dma_wait3A_657] : memref<22x256xf32, #tpu.memory_space<vmem>> -> memref<1x256xf32, #tpu.memory_space<vmem>>
        tpu.wait_dma2 semaphore(%arg7 : memref<!tpu.dma_semaphore, #tpu.memory_space<semaphore_mem>>) src(%dma_wait3A_658 : memref<1x256xf32, #tpu.memory_space<vmem>>) dst(%dma_wait3A_655 : memref<1x256xf32, #tpu.memory_space<hbm>>)
        %dma_wait3A_659 = arith.constant 0 : i32
        %dma_wait3A_660 = arith.constant 0 : i32
        %dma_wait3A_661 = tpu.memref_slice %arg5[%dma_wait3A_659, %dma_wait3A_660] : memref<22x256xf32, #tpu.memory_space<vmem>> -> memref<1x256xf32, #tpu.memory_space<vmem>>
        %dma_wait3A_662 = arith.constant 0 : i32
        %dma_wait3A_663 = tpu.memref_slice %arg4[%mul3A_2, %dma_wait3A_662] : memref<98304x256xf32, #tpu.memory_space<hbm>> -> memref<1x256xf32, #tpu.memory_space<hbm>>
        %dma_wait3A_664 = arith.constant 0 : i32
        %dma_wait3A_665 = tpu.memref_slice %arg4[%mul3A_2, %dma_wait3A_664] : memref<98304x256xf32, #tpu.memory_space<hbm>> -> memref<1x256xf32, #tpu.memory_space<hbm>>
        %dma_wait3A_666 = arith.constant 0 : i32
        %dma_wait3A_667 = arith.constant 0 : i32
        %dma_wait3A_668 = tpu.memref_slice %arg5[%dma_wait3A_666, %dma_wait3A_667] : memref<22x256xf32, #tpu.memory_space<vmem>> -> memref<1x256xf32, #tpu.memory_space<vmem>>
        tpu.wait_dma2 semaphore(%arg7 : memref<!tpu.dma_semaphore, #tpu.memory_space<semaphore_mem>>) src(%dma_wait3A_668 : memref<1x256xf32, #tpu.memory_space<vmem>>) dst(%dma_wait3A_665 : memref<1x256xf32, #tpu.memory_space<hbm>>)
        %dma_wait3A_669 = arith.constant 0 : i32
        %dma_wait3A_670 = arith.constant 0 : i32
        %dma_wait3A_671 = tpu.memref_slice %arg5[%dma_wait3A_669, %dma_wait3A_670] : memref<22x256xf32, #tpu.memory_space<vmem>> -> memref<1x256xf32, #tpu.memory_space<vmem>>
        %dma_wait3A_672 = arith.constant 0 : i32
        %dma_wait3A_673 = tpu.memref_slice %arg4[%mul3A_2, %dma_wait3A_672] : memref<98304x256xf32, #tpu.memory_space<hbm>> -> memref<1x256xf32, #tpu.memory_space<hbm>>
        %dma_wait3A_674 = arith.constant 0 : i32
        %dma_wait3A_675 = tpu.memref_slice %arg4[%mul3A_2, %dma_wait3A_674] : memref<98304x256xf32, #tpu.memory_space<hbm>> -> memref<1x256xf32, #tpu.memory_space<hbm>>
        %dma_wait3A_676 = arith.constant 0 : i32
        %dma_wait3A_677 = arith.constant 0 : i32
        %dma_wait3A_678 = tpu.memref_slice %arg5[%dma_wait3A_676, %dma_wait3A_677] : memref<22x256xf32, #tpu.memory_space<vmem>> -> memref<1x256xf32, #tpu.memory_space<vmem>>
        tpu.wait_dma2 semaphore(%arg7 : memref<!tpu.dma_semaphore, #tpu.memory_space<semaphore_mem>>) src(%dma_wait3A_678 : memref<1x256xf32, #tpu.memory_space<vmem>>) dst(%dma_wait3A_675 : memref<1x256xf32, #tpu.memory_space<hbm>>)
        %dma_wait3A_679 = arith.constant 0 : i32
        %dma_wait3A_680 = arith.constant 0 : i32
        %dma_wait3A_681 = tpu.memref_slice %arg5[%dma_wait3A_679, %dma_wait3A_680] : memref<22x256xf32, #tpu.memory_space<vmem>> -> memref<1x256xf32, #tpu.memory_space<vmem>>
        %dma_wait3A_682 = arith.constant 0 : i32
        %dma_wait3A_683 = tpu.memref_slice %arg4[%mul3A_2, %dma_wait3A_682] : memref<98304x256xf32, #tpu.memory_space<hbm>> -> memref<1x256xf32, #tpu.memory_space<hbm>>
        %dma_wait3A_684 = arith.constant 0 : i32
        %dma_wait3A_685 = tpu.memref_slice %arg4[%mul3A_2, %dma_wait3A_684] : memref<98304x256xf32, #tpu.memory_space<hbm>> -> memref<1x256xf32, #tpu.memory_space<hbm>>
        %dma_wait3A_686 = arith.constant 0 : i32
        %dma_wait3A_687 = arith.constant 0 : i32
        %dma_wait3A_688 = tpu.memref_slice %arg5[%dma_wait3A_686, %dma_wait3A_687] : memref<22x256xf32, #tpu.memory_space<vmem>> -> memref<1x256xf32, #tpu.memory_space<vmem>>
        tpu.wait_dma2 semaphore(%arg7 : memref<!tpu.dma_semaphore, #tpu.memory_space<semaphore_mem>>) src(%dma_wait3A_688 : memref<1x256xf32, #tpu.memory_space<vmem>>) dst(%dma_wait3A_685 : memref<1x256xf32, #tpu.memory_space<hbm>>)
        %dma_wait3A_689 = arith.constant 0 : i32
        %dma_wait3A_690 = arith.constant 0 : i32
        %dma_wait3A_691 = tpu.memref_slice %arg5[%dma_wait3A_689, %dma_wait3A_690] : memref<22x256xf32, #tpu.memory_space<vmem>> -> memref<1x256xf32, #tpu.memory_space<vmem>>
        %dma_wait3A_692 = arith.constant 0 : i32
        %dma_wait3A_693 = tpu.memref_slice %arg4[%mul3A_2, %dma_wait3A_692] : memref<98304x256xf32, #tpu.memory_space<hbm>> -> memref<1x256xf32, #tpu.memory_space<hbm>>
        %dma_wait3A_694 = arith.constant 0 : i32
        %dma_wait3A_695 = tpu.memref_slice %arg4[%mul3A_2, %dma_wait3A_694] : memref<98304x256xf32, #tpu.memory_space<hbm>> -> memref<1x256xf32, #tpu.memory_space<hbm>>
        %dma_wait3A_696 = arith.constant 0 : i32
        %dma_wait3A_697 = arith.constant 0 : i32
        %dma_wait3A_698 = tpu.memref_slice %arg5[%dma_wait3A_696, %dma_wait3A_697] : memref<22x256xf32, #tpu.memory_space<vmem>> -> memref<1x256xf32, #tpu.memory_space<vmem>>
        tpu.wait_dma2 semaphore(%arg7 : memref<!tpu.dma_semaphore, #tpu.memory_space<semaphore_mem>>) src(%dma_wait3A_698 : memref<1x256xf32, #tpu.memory_space<vmem>>) dst(%dma_wait3A_695 : memref<1x256xf32, #tpu.memory_space<hbm>>)
        %dma_wait3A_699 = arith.constant 0 : i32
        %dma_wait3A_700 = arith.constant 0 : i32
        %dma_wait3A_701 = tpu.memref_slice %arg5[%dma_wait3A_699, %dma_wait3A_700] : memref<22x256xf32, #tpu.memory_space<vmem>> -> memref<1x256xf32, #tpu.memory_space<vmem>>
        %dma_wait3A_702 = arith.constant 0 : i32
        %dma_wait3A_703 = tpu.memref_slice %arg4[%mul3A_2, %dma_wait3A_702] : memref<98304x256xf32, #tpu.memory_space<hbm>> -> memref<1x256xf32, #tpu.memory_space<hbm>>
        %dma_wait3A_704 = arith.constant 0 : i32
        %dma_wait3A_705 = tpu.memref_slice %arg4[%mul3A_2, %dma_wait3A_704] : memref<98304x256xf32, #tpu.memory_space<hbm>> -> memref<1x256xf32, #tpu.memory_space<hbm>>
        %dma_wait3A_706 = arith.constant 0 : i32
        %dma_wait3A_707 = arith.constant 0 : i32
        %dma_wait3A_708 = tpu.memref_slice %arg5[%dma_wait3A_706, %dma_wait3A_707] : memref<22x256xf32, #tpu.memory_space<vmem>> -> memref<1x256xf32, #tpu.memory_space<vmem>>
        tpu.wait_dma2 semaphore(%arg7 : memref<!tpu.dma_semaphore, #tpu.memory_space<semaphore_mem>>) src(%dma_wait3A_708 : memref<1x256xf32, #tpu.memory_space<vmem>>) dst(%dma_wait3A_705 : memref<1x256xf32, #tpu.memory_space<hbm>>)
        %dma_wait3A_709 = arith.constant 0 : i32
        %dma_wait3A_710 = arith.constant 0 : i32
        %dma_wait3A_711 = tpu.memref_slice %arg5[%dma_wait3A_709, %dma_wait3A_710] : memref<22x256xf32, #tpu.memory_space<vmem>> -> memref<1x256xf32, #tpu.memory_space<vmem>>
        %dma_wait3A_712 = arith.constant 0 : i32
        %dma_wait3A_713 = tpu.memref_slice %arg4[%mul3A_2, %dma_wait3A_712] : memref<98304x256xf32, #tpu.memory_space<hbm>> -> memref<1x256xf32, #tpu.memory_space<hbm>>
        %dma_wait3A_714 = arith.constant 0 : i32
        %dma_wait3A_715 = tpu.memref_slice %arg4[%mul3A_2, %dma_wait3A_714] : memref<98304x256xf32, #tpu.memory_space<hbm>> -> memref<1x256xf32, #tpu.memory_space<hbm>>
        %dma_wait3A_716 = arith.constant 0 : i32
        %dma_wait3A_717 = arith.constant 0 : i32
        %dma_wait3A_718 = tpu.memref_slice %arg5[%dma_wait3A_716, %dma_wait3A_717] : memref<22x256xf32, #tpu.memory_space<vmem>> -> memref<1x256xf32, #tpu.memory_space<vmem>>
        tpu.wait_dma2 semaphore(%arg7 : memref<!tpu.dma_semaphore, #tpu.memory_space<semaphore_mem>>) src(%dma_wait3A_718 : memref<1x256xf32, #tpu.memory_space<vmem>>) dst(%dma_wait3A_715 : memref<1x256xf32, #tpu.memory_space<hbm>>)
        %dma_wait3A_719 = arith.constant 0 : i32
        %dma_wait3A_720 = arith.constant 0 : i32
        %dma_wait3A_721 = tpu.memref_slice %arg5[%dma_wait3A_719, %dma_wait3A_720] : memref<22x256xf32, #tpu.memory_space<vmem>> -> memref<1x256xf32, #tpu.memory_space<vmem>>
        %dma_wait3A_722 = arith.constant 0 : i32
        %dma_wait3A_723 = tpu.memref_slice %arg4[%mul3A_2, %dma_wait3A_722] : memref<98304x256xf32, #tpu.memory_space<hbm>> -> memref<1x256xf32, #tpu.memory_space<hbm>>
        %dma_wait3A_724 = arith.constant 0 : i32
        %dma_wait3A_725 = tpu.memref_slice %arg4[%mul3A_2, %dma_wait3A_724] : memref<98304x256xf32, #tpu.memory_space<hbm>> -> memref<1x256xf32, #tpu.memory_space<hbm>>
        %dma_wait3A_726 = arith.constant 0 : i32
        %dma_wait3A_727 = arith.constant 0 : i32
        %dma_wait3A_728 = tpu.memref_slice %arg5[%dma_wait3A_726, %dma_wait3A_727] : memref<22x256xf32, #tpu.memory_space<vmem>> -> memref<1x256xf32, #tpu.memory_space<vmem>>
        tpu.wait_dma2 semaphore(%arg7 : memref<!tpu.dma_semaphore, #tpu.memory_space<semaphore_mem>>) src(%dma_wait3A_728 : memref<1x256xf32, #tpu.memory_space<vmem>>) dst(%dma_wait3A_725 : memref<1x256xf32, #tpu.memory_space<hbm>>)
        %dma_wait3A_729 = arith.constant 0 : i32
        %dma_wait3A_730 = arith.constant 0 : i32
        %dma_wait3A_731 = tpu.memref_slice %arg5[%dma_wait3A_729, %dma_wait3A_730] : memref<22x256xf32, #tpu.memory_space<vmem>> -> memref<1x256xf32, #tpu.memory_space<vmem>>
        %dma_wait3A_732 = arith.constant 0 : i32
        %dma_wait3A_733 = tpu.memref_slice %arg4[%mul3A_2, %dma_wait3A_732] : memref<98304x256xf32, #tpu.memory_space<hbm>> -> memref<1x256xf32, #tpu.memory_space<hbm>>
        %dma_wait3A_734 = arith.constant 0 : i32
        %dma_wait3A_735 = tpu.memref_slice %arg4[%mul3A_2, %dma_wait3A_734] : memref<98304x256xf32, #tpu.memory_space<hbm>> -> memref<1x256xf32, #tpu.memory_space<hbm>>
        %dma_wait3A_736 = arith.constant 0 : i32
        %dma_wait3A_737 = arith.constant 0 : i32
        %dma_wait3A_738 = tpu.memref_slice %arg5[%dma_wait3A_736, %dma_wait3A_737] : memref<22x256xf32, #tpu.memory_space<vmem>> -> memref<1x256xf32, #tpu.memory_space<vmem>>
        tpu.wait_dma2 semaphore(%arg7 : memref<!tpu.dma_semaphore, #tpu.memory_space<semaphore_mem>>) src(%dma_wait3A_738 : memref<1x256xf32, #tpu.memory_space<vmem>>) dst(%dma_wait3A_735 : memref<1x256xf32, #tpu.memory_space<hbm>>)
        %dma_wait3A_739 = arith.constant 0 : i32
        %dma_wait3A_740 = arith.constant 0 : i32
        %dma_wait3A_741 = tpu.memref_slice %arg5[%dma_wait3A_739, %dma_wait3A_740] : memref<22x256xf32, #tpu.memory_space<vmem>> -> memref<1x256xf32, #tpu.memory_space<vmem>>
        %dma_wait3A_742 = arith.constant 0 : i32
        %dma_wait3A_743 = tpu.memref_slice %arg4[%mul3A_2, %dma_wait3A_742] : memref<98304x256xf32, #tpu.memory_space<hbm>> -> memref<1x256xf32, #tpu.memory_space<hbm>>
        %dma_wait3A_744 = arith.constant 0 : i32
        %dma_wait3A_745 = tpu.memref_slice %arg4[%mul3A_2, %dma_wait3A_744] : memref<98304x256xf32, #tpu.memory_space<hbm>> -> memref<1x256xf32, #tpu.memory_space<hbm>>
        %dma_wait3A_746 = arith.constant 0 : i32
        %dma_wait3A_747 = arith.constant 0 : i32
        %dma_wait3A_748 = tpu.memref_slice %arg5[%dma_wait3A_746, %dma_wait3A_747] : memref<22x256xf32, #tpu.memory_space<vmem>> -> memref<1x256xf32, #tpu.memory_space<vmem>>
        tpu.wait_dma2 semaphore(%arg7 : memref<!tpu.dma_semaphore, #tpu.memory_space<semaphore_mem>>) src(%dma_wait3A_748 : memref<1x256xf32, #tpu.memory_space<vmem>>) dst(%dma_wait3A_745 : memref<1x256xf32, #tpu.memory_space<hbm>>)
        %dma_wait3A_749 = arith.constant 0 : i32
        %dma_wait3A_750 = arith.constant 0 : i32
        %dma_wait3A_751 = tpu.memref_slice %arg5[%dma_wait3A_749, %dma_wait3A_750] : memref<22x256xf32, #tpu.memory_space<vmem>> -> memref<1x256xf32, #tpu.memory_space<vmem>>
        %dma_wait3A_752 = arith.constant 0 : i32
        %dma_wait3A_753 = tpu.memref_slice %arg4[%mul3A_2, %dma_wait3A_752] : memref<98304x256xf32, #tpu.memory_space<hbm>> -> memref<1x256xf32, #tpu.memory_space<hbm>>
        %dma_wait3A_754 = arith.constant 0 : i32
        %dma_wait3A_755 = tpu.memref_slice %arg4[%mul3A_2, %dma_wait3A_754] : memref<98304x256xf32, #tpu.memory_space<hbm>> -> memref<1x256xf32, #tpu.memory_space<hbm>>
        %dma_wait3A_756 = arith.constant 0 : i32
        %dma_wait3A_757 = arith.constant 0 : i32
        %dma_wait3A_758 = tpu.memref_slice %arg5[%dma_wait3A_756, %dma_wait3A_757] : memref<22x256xf32, #tpu.memory_space<vmem>> -> memref<1x256xf32, #tpu.memory_space<vmem>>
        tpu.wait_dma2 semaphore(%arg7 : memref<!tpu.dma_semaphore, #tpu.memory_space<semaphore_mem>>) src(%dma_wait3A_758 : memref<1x256xf32, #tpu.memory_space<vmem>>) dst(%dma_wait3A_755 : memref<1x256xf32, #tpu.memory_space<hbm>>)
        %dma_wait3A_759 = arith.constant 0 : i32
        %dma_wait3A_760 = arith.constant 0 : i32
        %dma_wait3A_761 = tpu.memref_slice %arg5[%dma_wait3A_759, %dma_wait3A_760] : memref<22x256xf32, #tpu.memory_space<vmem>> -> memref<1x256xf32, #tpu.memory_space<vmem>>
        %dma_wait3A_762 = arith.constant 0 : i32
        %dma_wait3A_763 = tpu.memref_slice %arg4[%mul3A_2, %dma_wait3A_762] : memref<98304x256xf32, #tpu.memory_space<hbm>> -> memref<1x256xf32, #tpu.memory_space<hbm>>
        %dma_wait3A_764 = arith.constant 0 : i32
        %dma_wait3A_765 = tpu.memref_slice %arg4[%mul3A_2, %dma_wait3A_764] : memref<98304x256xf32, #tpu.memory_space<hbm>> -> memref<1x256xf32, #tpu.memory_space<hbm>>
        %dma_wait3A_766 = arith.constant 0 : i32
        %dma_wait3A_767 = arith.constant 0 : i32
        %dma_wait3A_768 = tpu.memref_slice %arg5[%dma_wait3A_766, %dma_wait3A_767] : memref<22x256xf32, #tpu.memory_space<vmem>> -> memref<1x256xf32, #tpu.memory_space<vmem>>
        tpu.wait_dma2 semaphore(%arg7 : memref<!tpu.dma_semaphore, #tpu.memory_space<semaphore_mem>>) src(%dma_wait3A_768 : memref<1x256xf32, #tpu.memory_space<vmem>>) dst(%dma_wait3A_765 : memref<1x256xf32, #tpu.memory_space<hbm>>)
      } else {
      }
      %scan3A_608 = arith.constant 0 : i32
      scf.yield %scan3A_608 : i32
    }
    %scan3A_8 = arith.constant 192 : i32
    %dma_wait3A = arith.constant 0 : i32
    %dma_wait3A_9 = arith.constant 0 : i32
    %dma_wait3A_10 = tpu.memref_slice %arg5[%dma_wait3A, %dma_wait3A_9] : memref<22x256xf32, #tpu.memory_space<vmem>> -> memref<1x256xf32, #tpu.memory_space<vmem>>
    %dma_wait3A_11 = arith.constant 0 : i32
    %dma_wait3A_12 = tpu.memref_slice %arg4[%mul3A_2, %dma_wait3A_11] : memref<98304x256xf32, #tpu.memory_space<hbm>> -> memref<1x256xf32, #tpu.memory_space<hbm>>
    %dma_wait3A_13 = arith.constant 0 : i32
    %dma_wait3A_14 = tpu.memref_slice %arg4[%mul3A_2, %dma_wait3A_13] : memref<98304x256xf32, #tpu.memory_space<hbm>> -> memref<1x256xf32, #tpu.memory_space<hbm>>
    %dma_wait3A_15 = arith.constant 0 : i32
    %dma_wait3A_16 = arith.constant 0 : i32
    %dma_wait3A_17 = tpu.memref_slice %arg5[%dma_wait3A_15, %dma_wait3A_16] : memref<22x256xf32, #tpu.memory_space<vmem>> -> memref<1x256xf32, #tpu.memory_space<vmem>>
    tpu.wait_dma2 semaphore(%arg7 : memref<!tpu.dma_semaphore, #tpu.memory_space<semaphore_mem>>) src(%dma_wait3A_17 : memref<1x256xf32, #tpu.memory_space<vmem>>) dst(%dma_wait3A_14 : memref<1x256xf32, #tpu.memory_space<hbm>>)
    %dma_wait3A_18 = arith.constant 0 : i32
    %dma_wait3A_19 = arith.constant 0 : i32
    %dma_wait3A_20 = tpu.memref_slice %arg5[%dma_wait3A_18, %dma_wait3A_19] : memref<22x256xf32, #tpu.memory_space<vmem>> -> memref<1x256xf32, #tpu.memory_space<vmem>>
    %dma_wait3A_21 = arith.constant 0 : i32
    %dma_wait3A_22 = tpu.memref_slice %arg4[%mul3A_2, %dma_wait3A_21] : memref<98304x256xf32, #tpu.memory_space<hbm>> -> memref<1x256xf32, #tpu.memory_space<hbm>>
    %dma_wait3A_23 = arith.constant 0 : i32
    %dma_wait3A_24 = tpu.memref_slice %arg4[%mul3A_2, %dma_wait3A_23] : memref<98304x256xf32, #tpu.memory_space<hbm>> -> memref<1x256xf32, #tpu.memory_space<hbm>>
    %dma_wait3A_25 = arith.constant 0 : i32
    %dma_wait3A_26 = arith.constant 0 : i32
    %dma_wait3A_27 = tpu.memref_slice %arg5[%dma_wait3A_25, %dma_wait3A_26] : memref<22x256xf32, #tpu.memory_space<vmem>> -> memref<1x256xf32, #tpu.memory_space<vmem>>
    tpu.wait_dma2 semaphore(%arg7 : memref<!tpu.dma_semaphore, #tpu.memory_space<semaphore_mem>>) src(%dma_wait3A_27 : memref<1x256xf32, #tpu.memory_space<vmem>>) dst(%dma_wait3A_24 : memref<1x256xf32, #tpu.memory_space<hbm>>)
    %dma_wait3A_28 = arith.constant 0 : i32
    %dma_wait3A_29 = arith.constant 0 : i32
    %dma_wait3A_30 = tpu.memref_slice %arg5[%dma_wait3A_28, %dma_wait3A_29] : memref<22x256xf32, #tpu.memory_space<vmem>> -> memref<1x256xf32, #tpu.memory_space<vmem>>
    %dma_wait3A_31 = arith.constant 0 : i32
    %dma_wait3A_32 = tpu.memref_slice %arg4[%mul3A_2, %dma_wait3A_31] : memref<98304x256xf32, #tpu.memory_space<hbm>> -> memref<1x256xf32, #tpu.memory_space<hbm>>
    %dma_wait3A_33 = arith.constant 0 : i32
    %dma_wait3A_34 = tpu.memref_slice %arg4[%mul3A_2, %dma_wait3A_33] : memref<98304x256xf32, #tpu.memory_space<hbm>> -> memref<1x256xf32, #tpu.memory_space<hbm>>
    %dma_wait3A_35 = arith.constant 0 : i32
    %dma_wait3A_36 = arith.constant 0 : i32
    %dma_wait3A_37 = tpu.memref_slice %arg5[%dma_wait3A_35, %dma_wait3A_36] : memref<22x256xf32, #tpu.memory_space<vmem>> -> memref<1x256xf32, #tpu.memory_space<vmem>>
    tpu.wait_dma2 semaphore(%arg7 : memref<!tpu.dma_semaphore, #tpu.memory_space<semaphore_mem>>) src(%dma_wait3A_37 : memref<1x256xf32, #tpu.memory_space<vmem>>) dst(%dma_wait3A_34 : memref<1x256xf32, #tpu.memory_space<hbm>>)
    %dma_wait3A_38 = arith.constant 0 : i32
    %dma_wait3A_39 = arith.constant 0 : i32
    %dma_wait3A_40 = tpu.memref_slice %arg5[%dma_wait3A_38, %dma_wait3A_39] : memref<22x256xf32, #tpu.memory_space<vmem>> -> memref<1x256xf32, #tpu.memory_space<vmem>>
    %dma_wait3A_41 = arith.constant 0 : i32
    %dma_wait3A_42 = tpu.memref_slice %arg4[%mul3A_2, %dma_wait3A_41] : memref<98304x256xf32, #tpu.memory_space<hbm>> -> memref<1x256xf32, #tpu.memory_space<hbm>>
    %dma_wait3A_43 = arith.constant 0 : i32
    %dma_wait3A_44 = tpu.memref_slice %arg4[%mul3A_2, %dma_wait3A_43] : memref<98304x256xf32, #tpu.memory_space<hbm>> -> memref<1x256xf32, #tpu.memory_space<hbm>>
    %dma_wait3A_45 = arith.constant 0 : i32
    %dma_wait3A_46 = arith.constant 0 : i32
    %dma_wait3A_47 = tpu.memref_slice %arg5[%dma_wait3A_45, %dma_wait3A_46] : memref<22x256xf32, #tpu.memory_space<vmem>> -> memref<1x256xf32, #tpu.memory_space<vmem>>
    tpu.wait_dma2 semaphore(%arg7 : memref<!tpu.dma_semaphore, #tpu.memory_space<semaphore_mem>>) src(%dma_wait3A_47 : memref<1x256xf32, #tpu.memory_space<vmem>>) dst(%dma_wait3A_44 : memref<1x256xf32, #tpu.memory_space<hbm>>)
    %dma_wait3A_48 = arith.constant 0 : i32
    %dma_wait3A_49 = arith.constant 0 : i32
    %dma_wait3A_50 = tpu.memref_slice %arg5[%dma_wait3A_48, %dma_wait3A_49] : memref<22x256xf32, #tpu.memory_space<vmem>> -> memref<1x256xf32, #tpu.memory_space<vmem>>
    %dma_wait3A_51 = arith.constant 0 : i32
    %dma_wait3A_52 = tpu.memref_slice %arg4[%mul3A_2, %dma_wait3A_51] : memref<98304x256xf32, #tpu.memory_space<hbm>> -> memref<1x256xf32, #tpu.memory_space<hbm>>
    %dma_wait3A_53 = arith.constant 0 : i32
    %dma_wait3A_54 = tpu.memref_slice %arg4[%mul3A_2, %dma_wait3A_53] : memref<98304x256xf32, #tpu.memory_space<hbm>> -> memref<1x256xf32, #tpu.memory_space<hbm>>
    %dma_wait3A_55 = arith.constant 0 : i32
    %dma_wait3A_56 = arith.constant 0 : i32
    %dma_wait3A_57 = tpu.memref_slice %arg5[%dma_wait3A_55, %dma_wait3A_56] : memref<22x256xf32, #tpu.memory_space<vmem>> -> memref<1x256xf32, #tpu.memory_space<vmem>>
    tpu.wait_dma2 semaphore(%arg7 : memref<!tpu.dma_semaphore, #tpu.memory_space<semaphore_mem>>) src(%dma_wait3A_57 : memref<1x256xf32, #tpu.memory_space<vmem>>) dst(%dma_wait3A_54 : memref<1x256xf32, #tpu.memory_space<hbm>>)
    %dma_wait3A_58 = arith.constant 0 : i32
    %dma_wait3A_59 = arith.constant 0 : i32
    %dma_wait3A_60 = tpu.memref_slice %arg5[%dma_wait3A_58, %dma_wait3A_59] : memref<22x256xf32, #tpu.memory_space<vmem>> -> memref<1x256xf32, #tpu.memory_space<vmem>>
    %dma_wait3A_61 = arith.constant 0 : i32
    %dma_wait3A_62 = tpu.memref_slice %arg4[%mul3A_2, %dma_wait3A_61] : memref<98304x256xf32, #tpu.memory_space<hbm>> -> memref<1x256xf32, #tpu.memory_space<hbm>>
    %dma_wait3A_63 = arith.constant 0 : i32
    %dma_wait3A_64 = tpu.memref_slice %arg4[%mul3A_2, %dma_wait3A_63] : memref<98304x256xf32, #tpu.memory_space<hbm>> -> memref<1x256xf32, #tpu.memory_space<hbm>>
    %dma_wait3A_65 = arith.constant 0 : i32
    %dma_wait3A_66 = arith.constant 0 : i32
    %dma_wait3A_67 = tpu.memref_slice %arg5[%dma_wait3A_65, %dma_wait3A_66] : memref<22x256xf32, #tpu.memory_space<vmem>> -> memref<1x256xf32, #tpu.memory_space<vmem>>
    tpu.wait_dma2 semaphore(%arg7 : memref<!tpu.dma_semaphore, #tpu.memory_space<semaphore_mem>>) src(%dma_wait3A_67 : memref<1x256xf32, #tpu.memory_space<vmem>>) dst(%dma_wait3A_64 : memref<1x256xf32, #tpu.memory_space<hbm>>)
    %dma_wait3A_68 = arith.constant 0 : i32
    %dma_wait3A_69 = arith.constant 0 : i32
    %dma_wait3A_70 = tpu.memref_slice %arg5[%dma_wait3A_68, %dma_wait3A_69] : memref<22x256xf32, #tpu.memory_space<vmem>> -> memref<1x256xf32, #tpu.memory_space<vmem>>
    %dma_wait3A_71 = arith.constant 0 : i32
    %dma_wait3A_72 = tpu.memref_slice %arg4[%mul3A_2, %dma_wait3A_71] : memref<98304x256xf32, #tpu.memory_space<hbm>> -> memref<1x256xf32, #tpu.memory_space<hbm>>
    %dma_wait3A_73 = arith.constant 0 : i32
    %dma_wait3A_74 = tpu.memref_slice %arg4[%mul3A_2, %dma_wait3A_73] : memref<98304x256xf32, #tpu.memory_space<hbm>> -> memref<1x256xf32, #tpu.memory_space<hbm>>
    %dma_wait3A_75 = arith.constant 0 : i32
    %dma_wait3A_76 = arith.constant 0 : i32
    %dma_wait3A_77 = tpu.memref_slice %arg5[%dma_wait3A_75, %dma_wait3A_76] : memref<22x256xf32, #tpu.memory_space<vmem>> -> memref<1x256xf32, #tpu.memory_space<vmem>>
    tpu.wait_dma2 semaphore(%arg7 : memref<!tpu.dma_semaphore, #tpu.memory_space<semaphore_mem>>) src(%dma_wait3A_77 : memref<1x256xf32, #tpu.memory_space<vmem>>) dst(%dma_wait3A_74 : memref<1x256xf32, #tpu.memory_space<hbm>>)
    %dma_wait3A_78 = arith.constant 0 : i32
    %dma_wait3A_79 = arith.constant 0 : i32
    %dma_wait3A_80 = tpu.memref_slice %arg5[%dma_wait3A_78, %dma_wait3A_79] : memref<22x256xf32, #tpu.memory_space<vmem>> -> memref<1x256xf32, #tpu.memory_space<vmem>>
    %dma_wait3A_81 = arith.constant 0 : i32
    %dma_wait3A_82 = tpu.memref_slice %arg4[%mul3A_2, %dma_wait3A_81] : memref<98304x256xf32, #tpu.memory_space<hbm>> -> memref<1x256xf32, #tpu.memory_space<hbm>>
    %dma_wait3A_83 = arith.constant 0 : i32
    %dma_wait3A_84 = tpu.memref_slice %arg4[%mul3A_2, %dma_wait3A_83] : memref<98304x256xf32, #tpu.memory_space<hbm>> -> memref<1x256xf32, #tpu.memory_space<hbm>>
    %dma_wait3A_85 = arith.constant 0 : i32
    %dma_wait3A_86 = arith.constant 0 : i32
    %dma_wait3A_87 = tpu.memref_slice %arg5[%dma_wait3A_85, %dma_wait3A_86] : memref<22x256xf32, #tpu.memory_space<vmem>> -> memref<1x256xf32, #tpu.memory_space<vmem>>
    tpu.wait_dma2 semaphore(%arg7 : memref<!tpu.dma_semaphore, #tpu.memory_space<semaphore_mem>>) src(%dma_wait3A_87 : memref<1x256xf32, #tpu.memory_space<vmem>>) dst(%dma_wait3A_84 : memref<1x256xf32, #tpu.memory_space<hbm>>)
    %dma_wait3A_88 = arith.constant 0 : i32
    %dma_wait3A_89 = arith.constant 0 : i32
    %dma_wait3A_90 = tpu.memref_slice %arg5[%dma_wait3A_88, %dma_wait3A_89] : memref<22x256xf32, #tpu.memory_space<vmem>> -> memref<1x256xf32, #tpu.memory_space<vmem>>
    %dma_wait3A_91 = arith.constant 0 : i32
    %dma_wait3A_92 = tpu.memref_slice %arg4[%mul3A_2, %dma_wait3A_91] : memref<98304x256xf32, #tpu.memory_space<hbm>> -> memref<1x256xf32, #tpu.memory_space<hbm>>
    %dma_wait3A_93 = arith.constant 0 : i32
    %dma_wait3A_94 = tpu.memref_slice %arg4[%mul3A_2, %dma_wait3A_93] : memref<98304x256xf32, #tpu.memory_space<hbm>> -> memref<1x256xf32, #tpu.memory_space<hbm>>
    %dma_wait3A_95 = arith.constant 0 : i32
    %dma_wait3A_96 = arith.constant 0 : i32
    %dma_wait3A_97 = tpu.memref_slice %arg5[%dma_wait3A_95, %dma_wait3A_96] : memref<22x256xf32, #tpu.memory_space<vmem>> -> memref<1x256xf32, #tpu.memory_space<vmem>>
    tpu.wait_dma2 semaphore(%arg7 : memref<!tpu.dma_semaphore, #tpu.memory_space<semaphore_mem>>) src(%dma_wait3A_97 : memref<1x256xf32, #tpu.memory_space<vmem>>) dst(%dma_wait3A_94 : memref<1x256xf32, #tpu.memory_space<hbm>>)
    %dma_wait3A_98 = arith.constant 0 : i32
    %dma_wait3A_99 = arith.constant 0 : i32
    %dma_wait3A_100 = tpu.memref_slice %arg5[%dma_wait3A_98, %dma_wait3A_99] : memref<22x256xf32, #tpu.memory_space<vmem>> -> memref<1x256xf32, #tpu.memory_space<vmem>>
    %dma_wait3A_101 = arith.constant 0 : i32
    %dma_wait3A_102 = tpu.memref_slice %arg4[%mul3A_2, %dma_wait3A_101] : memref<98304x256xf32, #tpu.memory_space<hbm>> -> memref<1x256xf32, #tpu.memory_space<hbm>>
    %dma_wait3A_103 = arith.constant 0 : i32
    %dma_wait3A_104 = tpu.memref_slice %arg4[%mul3A_2, %dma_wait3A_103] : memref<98304x256xf32, #tpu.memory_space<hbm>> -> memref<1x256xf32, #tpu.memory_space<hbm>>
    %dma_wait3A_105 = arith.constant 0 : i32
    %dma_wait3A_106 = arith.constant 0 : i32
    %dma_wait3A_107 = tpu.memref_slice %arg5[%dma_wait3A_105, %dma_wait3A_106] : memref<22x256xf32, #tpu.memory_space<vmem>> -> memref<1x256xf32, #tpu.memory_space<vmem>>
    tpu.wait_dma2 semaphore(%arg7 : memref<!tpu.dma_semaphore, #tpu.memory_space<semaphore_mem>>) src(%dma_wait3A_107 : memref<1x256xf32, #tpu.memory_space<vmem>>) dst(%dma_wait3A_104 : memref<1x256xf32, #tpu.memory_space<hbm>>)
    %dma_wait3A_108 = arith.constant 0 : i32
    %dma_wait3A_109 = arith.constant 0 : i32
    %dma_wait3A_110 = tpu.memref_slice %arg5[%dma_wait3A_108, %dma_wait3A_109] : memref<22x256xf32, #tpu.memory_space<vmem>> -> memref<1x256xf32, #tpu.memory_space<vmem>>
    %dma_wait3A_111 = arith.constant 0 : i32
    %dma_wait3A_112 = tpu.memref_slice %arg4[%mul3A_2, %dma_wait3A_111] : memref<98304x256xf32, #tpu.memory_space<hbm>> -> memref<1x256xf32, #tpu.memory_space<hbm>>
    %dma_wait3A_113 = arith.constant 0 : i32
    %dma_wait3A_114 = tpu.memref_slice %arg4[%mul3A_2, %dma_wait3A_113] : memref<98304x256xf32, #tpu.memory_space<hbm>> -> memref<1x256xf32, #tpu.memory_space<hbm>>
    %dma_wait3A_115 = arith.constant 0 : i32
    %dma_wait3A_116 = arith.constant 0 : i32
    %dma_wait3A_117 = tpu.memref_slice %arg5[%dma_wait3A_115, %dma_wait3A_116] : memref<22x256xf32, #tpu.memory_space<vmem>> -> memref<1x256xf32, #tpu.memory_space<vmem>>
    tpu.wait_dma2 semaphore(%arg7 : memref<!tpu.dma_semaphore, #tpu.memory_space<semaphore_mem>>) src(%dma_wait3A_117 : memref<1x256xf32, #tpu.memory_space<vmem>>) dst(%dma_wait3A_114 : memref<1x256xf32, #tpu.memory_space<hbm>>)
    %dma_wait3A_118 = arith.constant 0 : i32
    %dma_wait3A_119 = arith.constant 0 : i32
    %dma_wait3A_120 = tpu.memref_slice %arg5[%dma_wait3A_118, %dma_wait3A_119] : memref<22x256xf32, #tpu.memory_space<vmem>> -> memref<1x256xf32, #tpu.memory_space<vmem>>
    %dma_wait3A_121 = arith.constant 0 : i32
    %dma_wait3A_122 = tpu.memref_slice %arg4[%mul3A_2, %dma_wait3A_121] : memref<98304x256xf32, #tpu.memory_space<hbm>> -> memref<1x256xf32, #tpu.memory_space<hbm>>
    %dma_wait3A_123 = arith.constant 0 : i32
    %dma_wait3A_124 = tpu.memref_slice %arg4[%mul3A_2, %dma_wait3A_123] : memref<98304x256xf32, #tpu.memory_space<hbm>> -> memref<1x256xf32, #tpu.memory_space<hbm>>
    %dma_wait3A_125 = arith.constant 0 : i32
    %dma_wait3A_126 = arith.constant 0 : i32
    %dma_wait3A_127 = tpu.memref_slice %arg5[%dma_wait3A_125, %dma_wait3A_126] : memref<22x256xf32, #tpu.memory_space<vmem>> -> memref<1x256xf32, #tpu.memory_space<vmem>>
    tpu.wait_dma2 semaphore(%arg7 : memref<!tpu.dma_semaphore, #tpu.memory_space<semaphore_mem>>) src(%dma_wait3A_127 : memref<1x256xf32, #tpu.memory_space<vmem>>) dst(%dma_wait3A_124 : memref<1x256xf32, #tpu.memory_space<hbm>>)
    %dma_wait3A_128 = arith.constant 0 : i32
    %dma_wait3A_129 = arith.constant 0 : i32
    %dma_wait3A_130 = tpu.memref_slice %arg5[%dma_wait3A_128, %dma_wait3A_129] : memref<22x256xf32, #tpu.memory_space<vmem>> -> memref<1x256xf32, #tpu.memory_space<vmem>>
    %dma_wait3A_131 = arith.constant 0 : i32
    %dma_wait3A_132 = tpu.memref_slice %arg4[%mul3A_2, %dma_wait3A_131] : memref<98304x256xf32, #tpu.memory_space<hbm>> -> memref<1x256xf32, #tpu.memory_space<hbm>>
    %dma_wait3A_133 = arith.constant 0 : i32
    %dma_wait3A_134 = tpu.memref_slice %arg4[%mul3A_2, %dma_wait3A_133] : memref<98304x256xf32, #tpu.memory_space<hbm>> -> memref<1x256xf32, #tpu.memory_space<hbm>>
    %dma_wait3A_135 = arith.constant 0 : i32
    %dma_wait3A_136 = arith.constant 0 : i32
    %dma_wait3A_137 = tpu.memref_slice %arg5[%dma_wait3A_135, %dma_wait3A_136] : memref<22x256xf32, #tpu.memory_space<vmem>> -> memref<1x256xf32, #tpu.memory_space<vmem>>
    tpu.wait_dma2 semaphore(%arg7 : memref<!tpu.dma_semaphore, #tpu.memory_space<semaphore_mem>>) src(%dma_wait3A_137 : memref<1x256xf32, #tpu.memory_space<vmem>>) dst(%dma_wait3A_134 : memref<1x256xf32, #tpu.memory_space<hbm>>)
    %dma_wait3A_138 = arith.constant 0 : i32
    %dma_wait3A_139 = arith.constant 0 : i32
    %dma_wait3A_140 = tpu.memref_slice %arg5[%dma_wait3A_138, %dma_wait3A_139] : memref<22x256xf32, #tpu.memory_space<vmem>> -> memref<1x256xf32, #tpu.memory_space<vmem>>
    %dma_wait3A_141 = arith.constant 0 : i32
    %dma_wait3A_142 = tpu.memref_slice %arg4[%mul3A_2, %dma_wait3A_141] : memref<98304x256xf32, #tpu.memory_space<hbm>> -> memref<1x256xf32, #tpu.memory_space<hbm>>
    %dma_wait3A_143 = arith.constant 0 : i32
    %dma_wait3A_144 = tpu.memref_slice %arg4[%mul3A_2, %dma_wait3A_143] : memref<98304x256xf32, #tpu.memory_space<hbm>> -> memref<1x256xf32, #tpu.memory_space<hbm>>
    %dma_wait3A_145 = arith.constant 0 : i32
    %dma_wait3A_146 = arith.constant 0 : i32
    %dma_wait3A_147 = tpu.memref_slice %arg5[%dma_wait3A_145, %dma_wait3A_146] : memref<22x256xf32, #tpu.memory_space<vmem>> -> memref<1x256xf32, #tpu.memory_space<vmem>>
    tpu.wait_dma2 semaphore(%arg7 : memref<!tpu.dma_semaphore, #tpu.memory_space<semaphore_mem>>) src(%dma_wait3A_147 : memref<1x256xf32, #tpu.memory_space<vmem>>) dst(%dma_wait3A_144 : memref<1x256xf32, #tpu.memory_space<hbm>>)
    %dma_wait3A_148 = arith.constant 0 : i32
    %dma_wait3A_149 = arith.constant 0 : i32
    %dma_wait3A_150 = tpu.memref_slice %arg5[%dma_wait3A_148, %dma_wait3A_149] : memref<22x256xf32, #tpu.memory_space<vmem>> -> memref<1x256xf32, #tpu.memory_space<vmem>>
    %dma_wait3A_151 = arith.constant 0 : i32
    %dma_wait3A_152 = tpu.memref_slice %arg4[%mul3A_2, %dma_wait3A_151] : memref<98304x256xf32, #tpu.memory_space<hbm>> -> memref<1x256xf32, #tpu.memory_space<hbm>>
    %dma_wait3A_153 = arith.constant 0 : i32
    %dma_wait3A_154 = tpu.memref_slice %arg4[%mul3A_2, %dma_wait3A_153] : memref<98304x256xf32, #tpu.memory_space<hbm>> -> memref<1x256xf32, #tpu.memory_space<hbm>>
    %dma_wait3A_155 = arith.constant 0 : i32
    %dma_wait3A_156 = arith.constant 0 : i32
    %dma_wait3A_157 = tpu.memref_slice %arg5[%dma_wait3A_155, %dma_wait3A_156] : memref<22x256xf32, #tpu.memory_space<vmem>> -> memref<1x256xf32, #tpu.memory_space<vmem>>
    tpu.wait_dma2 semaphore(%arg7 : memref<!tpu.dma_semaphore, #tpu.memory_space<semaphore_mem>>) src(%dma_wait3A_157 : memref<1x256xf32, #tpu.memory_space<vmem>>) dst(%dma_wait3A_154 : memref<1x256xf32, #tpu.memory_space<hbm>>)
    %dma_wait3A_158 = arith.constant 0 : i32
    %dma_wait3A_159 = arith.constant 0 : i32
    %dma_wait3A_160 = tpu.memref_slice %arg5[%dma_wait3A_158, %dma_wait3A_159] : memref<22x256xf32, #tpu.memory_space<vmem>> -> memref<1x256xf32, #tpu.memory_space<vmem>>
    %dma_wait3A_161 = arith.constant 0 : i32
    %dma_wait3A_162 = tpu.memref_slice %arg4[%mul3A_2, %dma_wait3A_161] : memref<98304x256xf32, #tpu.memory_space<hbm>> -> memref<1x256xf32, #tpu.memory_space<hbm>>
    %dma_wait3A_163 = arith.constant 0 : i32
    %dma_wait3A_164 = tpu.memref_slice %arg4[%mul3A_2, %dma_wait3A_163] : memref<98304x256xf32, #tpu.memory_space<hbm>> -> memref<1x256xf32, #tpu.memory_space<hbm>>
    %dma_wait3A_165 = arith.constant 0 : i32
    %dma_wait3A_166 = arith.constant 0 : i32
    %dma_wait3A_167 = tpu.memref_slice %arg5[%dma_wait3A_165, %dma_wait3A_166] : memref<22x256xf32, #tpu.memory_space<vmem>> -> memref<1x256xf32, #tpu.memory_space<vmem>>
    tpu.wait_dma2 semaphore(%arg7 : memref<!tpu.dma_semaphore, #tpu.memory_space<semaphore_mem>>) src(%dma_wait3A_167 : memref<1x256xf32, #tpu.memory_space<vmem>>) dst(%dma_wait3A_164 : memref<1x256xf32, #tpu.memory_space<hbm>>)
    %dma_wait3A_168 = arith.constant 0 : i32
    %dma_wait3A_169 = arith.constant 0 : i32
    %dma_wait3A_170 = tpu.memref_slice %arg5[%dma_wait3A_168, %dma_wait3A_169] : memref<22x256xf32, #tpu.memory_space<vmem>> -> memref<1x256xf32, #tpu.memory_space<vmem>>
    %dma_wait3A_171 = arith.constant 0 : i32
    %dma_wait3A_172 = tpu.memref_slice %arg4[%mul3A_2, %dma_wait3A_171] : memref<98304x256xf32, #tpu.memory_space<hbm>> -> memref<1x256xf32, #tpu.memory_space<hbm>>
    %dma_wait3A_173 = arith.constant 0 : i32
    %dma_wait3A_174 = tpu.memref_slice %arg4[%mul3A_2, %dma_wait3A_173] : memref<98304x256xf32, #tpu.memory_space<hbm>> -> memref<1x256xf32, #tpu.memory_space<hbm>>
    %dma_wait3A_175 = arith.constant 0 : i32
    %dma_wait3A_176 = arith.constant 0 : i32
    %dma_wait3A_177 = tpu.memref_slice %arg5[%dma_wait3A_175, %dma_wait3A_176] : memref<22x256xf32, #tpu.memory_space<vmem>> -> memref<1x256xf32, #tpu.memory_space<vmem>>
    tpu.wait_dma2 semaphore(%arg7 : memref<!tpu.dma_semaphore, #tpu.memory_space<semaphore_mem>>) src(%dma_wait3A_177 : memref<1x256xf32, #tpu.memory_space<vmem>>) dst(%dma_wait3A_174 : memref<1x256xf32, #tpu.memory_space<hbm>>)
    %dma_wait3A_178 = arith.constant 0 : i32
    %dma_wait3A_179 = arith.constant 0 : i32
    %dma_wait3A_180 = tpu.memref_slice %arg5[%dma_wait3A_178, %dma_wait3A_179] : memref<22x256xf32, #tpu.memory_space<vmem>> -> memref<1x256xf32, #tpu.memory_space<vmem>>
    %dma_wait3A_181 = arith.constant 0 : i32
    %dma_wait3A_182 = tpu.memref_slice %arg4[%mul3A_2, %dma_wait3A_181] : memref<98304x256xf32, #tpu.memory_space<hbm>> -> memref<1x256xf32, #tpu.memory_space<hbm>>
    %dma_wait3A_183 = arith.constant 0 : i32
    %dma_wait3A_184 = tpu.memref_slice %arg4[%mul3A_2, %dma_wait3A_183] : memref<98304x256xf32, #tpu.memory_space<hbm>> -> memref<1x256xf32, #tpu.memory_space<hbm>>
    %dma_wait3A_185 = arith.constant 0 : i32
    %dma_wait3A_186 = arith.constant 0 : i32
    %dma_wait3A_187 = tpu.memref_slice %arg5[%dma_wait3A_185, %dma_wait3A_186] : memref<22x256xf32, #tpu.memory_space<vmem>> -> memref<1x256xf32, #tpu.memory_space<vmem>>
    tpu.wait_dma2 semaphore(%arg7 : memref<!tpu.dma_semaphore, #tpu.memory_space<semaphore_mem>>) src(%dma_wait3A_187 : memref<1x256xf32, #tpu.memory_space<vmem>>) dst(%dma_wait3A_184 : memref<1x256xf32, #tpu.memory_space<hbm>>)
    %dma_wait3A_188 = arith.constant 0 : i32
    %dma_wait3A_189 = arith.constant 0 : i32
    %dma_wait3A_190 = tpu.memref_slice %arg5[%dma_wait3A_188, %dma_wait3A_189] : memref<22x256xf32, #tpu.memory_space<vmem>> -> memref<1x256xf32, #tpu.memory_space<vmem>>
    %dma_wait3A_191 = arith.constant 0 : i32
    %dma_wait3A_192 = tpu.memref_slice %arg4[%mul3A_2, %dma_wait3A_191] : memref<98304x256xf32, #tpu.memory_space<hbm>> -> memref<1x256xf32, #tpu.memory_space<hbm>>
    %dma_wait3A_193 = arith.constant 0 : i32
    %dma_wait3A_194 = tpu.memref_slice %arg4[%mul3A_2, %dma_wait3A_193] : memref<98304x256xf32, #tpu.memory_space<hbm>> -> memref<1x256xf32, #tpu.memory_space<hbm>>
    %dma_wait3A_195 = arith.constant 0 : i32
    %dma_wait3A_196 = arith.constant 0 : i32
    %dma_wait3A_197 = tpu.memref_slice %arg5[%dma_wait3A_195, %dma_wait3A_196] : memref<22x256xf32, #tpu.memory_space<vmem>> -> memref<1x256xf32, #tpu.memory_space<vmem>>
    tpu.wait_dma2 semaphore(%arg7 : memref<!tpu.dma_semaphore, #tpu.memory_space<semaphore_mem>>) src(%dma_wait3A_197 : memref<1x256xf32, #tpu.memory_space<vmem>>) dst(%dma_wait3A_194 : memref<1x256xf32, #tpu.memory_space<hbm>>)
    %dma_wait3A_198 = arith.constant 0 : i32
    %dma_wait3A_199 = arith.constant 0 : i32
    %dma_wait3A_200 = tpu.memref_slice %arg5[%dma_wait3A_198, %dma_wait3A_199] : memref<22x256xf32, #tpu.memory_space<vmem>> -> memref<1x256xf32, #tpu.memory_space<vmem>>
    %dma_wait3A_201 = arith.constant 0 : i32
    %dma_wait3A_202 = tpu.memref_slice %arg4[%mul3A_2, %dma_wait3A_201] : memref<98304x256xf32, #tpu.memory_space<hbm>> -> memref<1x256xf32, #tpu.memory_space<hbm>>
    %dma_wait3A_203 = arith.constant 0 : i32
    %dma_wait3A_204 = tpu.memref_slice %arg4[%mul3A_2, %dma_wait3A_203] : memref<98304x256xf32, #tpu.memory_space<hbm>> -> memref<1x256xf32, #tpu.memory_space<hbm>>
    %dma_wait3A_205 = arith.constant 0 : i32
    %dma_wait3A_206 = arith.constant 0 : i32
    %dma_wait3A_207 = tpu.memref_slice %arg5[%dma_wait3A_205, %dma_wait3A_206] : memref<22x256xf32, #tpu.memory_space<vmem>> -> memref<1x256xf32, #tpu.memory_space<vmem>>
    tpu.wait_dma2 semaphore(%arg7 : memref<!tpu.dma_semaphore, #tpu.memory_space<semaphore_mem>>) src(%dma_wait3A_207 : memref<1x256xf32, #tpu.memory_space<vmem>>) dst(%dma_wait3A_204 : memref<1x256xf32, #tpu.memory_space<hbm>>)
    %dma_wait3A_208 = arith.constant 0 : i32
    %dma_wait3A_209 = arith.constant 0 : i32
    %dma_wait3A_210 = tpu.memref_slice %arg5[%dma_wait3A_208, %dma_wait3A_209] : memref<22x256xf32, #tpu.memory_space<vmem>> -> memref<1x256xf32, #tpu.memory_space<vmem>>
    %dma_wait3A_211 = arith.constant 0 : i32
    %dma_wait3A_212 = tpu.memref_slice %arg4[%mul3A_2, %dma_wait3A_211] : memref<98304x256xf32, #tpu.memory_space<hbm>> -> memref<1x256xf32, #tpu.memory_space<hbm>>
    %dma_wait3A_213 = arith.constant 0 : i32
    %dma_wait3A_214 = tpu.memref_slice %arg4[%mul3A_2, %dma_wait3A_213] : memref<98304x256xf32, #tpu.memory_space<hbm>> -> memref<1x256xf32, #tpu.memory_space<hbm>>
    %dma_wait3A_215 = arith.constant 0 : i32
    %dma_wait3A_216 = arith.constant 0 : i32
    %dma_wait3A_217 = tpu.memref_slice %arg5[%dma_wait3A_215, %dma_wait3A_216] : memref<22x256xf32, #tpu.memory_space<vmem>> -> memref<1x256xf32, #tpu.memory_space<vmem>>
    tpu.wait_dma2 semaphore(%arg7 : memref<!tpu.dma_semaphore, #tpu.memory_space<semaphore_mem>>) src(%dma_wait3A_217 : memref<1x256xf32, #tpu.memory_space<vmem>>) dst(%dma_wait3A_214 : memref<1x256xf32, #tpu.memory_space<hbm>>)
    %dma_wait3A_218 = arith.constant 0 : i32
    %dma_wait3A_219 = arith.constant 0 : i32
    %dma_wait3A_220 = tpu.memref_slice %arg5[%dma_wait3A_218, %dma_wait3A_219] : memref<22x256xf32, #tpu.memory_space<vmem>> -> memref<1x256xf32, #tpu.memory_space<vmem>>
    %dma_wait3A_221 = arith.constant 0 : i32
    %dma_wait3A_222 = tpu.memref_slice %arg4[%mul3A_2, %dma_wait3A_221] : memref<98304x256xf32, #tpu.memory_space<hbm>> -> memref<1x256xf32, #tpu.memory_space<hbm>>
    %dma_wait3A_223 = arith.constant 0 : i32
    %dma_wait3A_224 = tpu.memref_slice %arg4[%mul3A_2, %dma_wait3A_223] : memref<98304x256xf32, #tpu.memory_space<hbm>> -> memref<1x256xf32, #tpu.memory_space<hbm>>
    %dma_wait3A_225 = arith.constant 0 : i32
    %dma_wait3A_226 = arith.constant 0 : i32
    %dma_wait3A_227 = tpu.memref_slice %arg5[%dma_wait3A_225, %dma_wait3A_226] : memref<22x256xf32, #tpu.memory_space<vmem>> -> memref<1x256xf32, #tpu.memory_space<vmem>>
    tpu.wait_dma2 semaphore(%arg7 : memref<!tpu.dma_semaphore, #tpu.memory_space<semaphore_mem>>) src(%dma_wait3A_227 : memref<1x256xf32, #tpu.memory_space<vmem>>) dst(%dma_wait3A_224 : memref<1x256xf32, #tpu.memory_space<hbm>>)
    %dma_wait3A_228 = arith.constant 0 : i32
    %dma_wait3A_229 = arith.constant 0 : i32
    %dma_wait3A_230 = tpu.memref_slice %arg5[%dma_wait3A_228, %dma_wait3A_229] : memref<22x256xf32, #tpu.memory_space<vmem>> -> memref<1x256xf32, #tpu.memory_space<vmem>>
    %dma_wait3A_231 = arith.constant 0 : i32
    %dma_wait3A_232 = tpu.memref_slice %arg4[%mul3A_2, %dma_wait3A_231] : memref<98304x256xf32, #tpu.memory_space<hbm>> -> memref<1x256xf32, #tpu.memory_space<hbm>>
    %dma_wait3A_233 = arith.constant 0 : i32
    %dma_wait3A_234 = tpu.memref_slice %arg4[%mul3A_2, %dma_wait3A_233] : memref<98304x256xf32, #tpu.memory_space<hbm>> -> memref<1x256xf32, #tpu.memory_space<hbm>>
    %dma_wait3A_235 = arith.constant 0 : i32
    %dma_wait3A_236 = arith.constant 0 : i32
    %dma_wait3A_237 = tpu.memref_slice %arg5[%dma_wait3A_235, %dma_wait3A_236] : memref<22x256xf32, #tpu.memory_space<vmem>> -> memref<1x256xf32, #tpu.memory_space<vmem>>
    tpu.wait_dma2 semaphore(%arg7 : memref<!tpu.dma_semaphore, #tpu.memory_space<semaphore_mem>>) src(%dma_wait3A_237 : memref<1x256xf32, #tpu.memory_space<vmem>>) dst(%dma_wait3A_234 : memref<1x256xf32, #tpu.memory_space<hbm>>)
    %dma_wait3A_238 = arith.constant 0 : i32
    %dma_wait3A_239 = arith.constant 0 : i32
    %dma_wait3A_240 = tpu.memref_slice %arg5[%dma_wait3A_238, %dma_wait3A_239] : memref<22x256xf32, #tpu.memory_space<vmem>> -> memref<1x256xf32, #tpu.memory_space<vmem>>
    %dma_wait3A_241 = arith.constant 0 : i32
    %dma_wait3A_242 = tpu.memref_slice %arg4[%mul3A_2, %dma_wait3A_241] : memref<98304x256xf32, #tpu.memory_space<hbm>> -> memref<1x256xf32, #tpu.memory_space<hbm>>
    %dma_wait3A_243 = arith.constant 0 : i32
    %dma_wait3A_244 = tpu.memref_slice %arg4[%mul3A_2, %dma_wait3A_243] : memref<98304x256xf32, #tpu.memory_space<hbm>> -> memref<1x256xf32, #tpu.memory_space<hbm>>
    %dma_wait3A_245 = arith.constant 0 : i32
    %dma_wait3A_246 = arith.constant 0 : i32
    %dma_wait3A_247 = tpu.memref_slice %arg5[%dma_wait3A_245, %dma_wait3A_246] : memref<22x256xf32, #tpu.memory_space<vmem>> -> memref<1x256xf32, #tpu.memory_space<vmem>>
    tpu.wait_dma2 semaphore(%arg7 : memref<!tpu.dma_semaphore, #tpu.memory_space<semaphore_mem>>) src(%dma_wait3A_247 : memref<1x256xf32, #tpu.memory_space<vmem>>) dst(%dma_wait3A_244 : memref<1x256xf32, #tpu.memory_space<hbm>>)
    %dma_wait3A_248 = arith.constant 0 : i32
    %dma_wait3A_249 = arith.constant 0 : i32
    %dma_wait3A_250 = tpu.memref_slice %arg5[%dma_wait3A_248, %dma_wait3A_249] : memref<22x256xf32, #tpu.memory_space<vmem>> -> memref<1x256xf32, #tpu.memory_space<vmem>>
    %dma_wait3A_251 = arith.constant 0 : i32
    %dma_wait3A_252 = tpu.memref_slice %arg4[%mul3A_2, %dma_wait3A_251] : memref<98304x256xf32, #tpu.memory_space<hbm>> -> memref<1x256xf32, #tpu.memory_space<hbm>>
    %dma_wait3A_253 = arith.constant 0 : i32
    %dma_wait3A_254 = tpu.memref_slice %arg4[%mul3A_2, %dma_wait3A_253] : memref<98304x256xf32, #tpu.memory_space<hbm>> -> memref<1x256xf32, #tpu.memory_space<hbm>>
    %dma_wait3A_255 = arith.constant 0 : i32
    %dma_wait3A_256 = arith.constant 0 : i32
    %dma_wait3A_257 = tpu.memref_slice %arg5[%dma_wait3A_255, %dma_wait3A_256] : memref<22x256xf32, #tpu.memory_space<vmem>> -> memref<1x256xf32, #tpu.memory_space<vmem>>
    tpu.wait_dma2 semaphore(%arg7 : memref<!tpu.dma_semaphore, #tpu.memory_space<semaphore_mem>>) src(%dma_wait3A_257 : memref<1x256xf32, #tpu.memory_space<vmem>>) dst(%dma_wait3A_254 : memref<1x256xf32, #tpu.memory_space<hbm>>)
    %dma_wait3A_258 = arith.constant 0 : i32
    %dma_wait3A_259 = arith.constant 0 : i32
    %dma_wait3A_260 = tpu.memref_slice %arg5[%dma_wait3A_258, %dma_wait3A_259] : memref<22x256xf32, #tpu.memory_space<vmem>> -> memref<1x256xf32, #tpu.memory_space<vmem>>
    %dma_wait3A_261 = arith.constant 0 : i32
    %dma_wait3A_262 = tpu.memref_slice %arg4[%mul3A_2, %dma_wait3A_261] : memref<98304x256xf32, #tpu.memory_space<hbm>> -> memref<1x256xf32, #tpu.memory_space<hbm>>
    %dma_wait3A_263 = arith.constant 0 : i32
    %dma_wait3A_264 = tpu.memref_slice %arg4[%mul3A_2, %dma_wait3A_263] : memref<98304x256xf32, #tpu.memory_space<hbm>> -> memref<1x256xf32, #tpu.memory_space<hbm>>
    %dma_wait3A_265 = arith.constant 0 : i32
    %dma_wait3A_266 = arith.constant 0 : i32
    %dma_wait3A_267 = tpu.memref_slice %arg5[%dma_wait3A_265, %dma_wait3A_266] : memref<22x256xf32, #tpu.memory_space<vmem>> -> memref<1x256xf32, #tpu.memory_space<vmem>>
    tpu.wait_dma2 semaphore(%arg7 : memref<!tpu.dma_semaphore, #tpu.memory_space<semaphore_mem>>) src(%dma_wait3A_267 : memref<1x256xf32, #tpu.memory_space<vmem>>) dst(%dma_wait3A_264 : memref<1x256xf32, #tpu.memory_space<hbm>>)
    %dma_wait3A_268 = arith.constant 0 : i32
    %dma_wait3A_269 = arith.constant 0 : i32
    %dma_wait3A_270 = tpu.memref_slice %arg5[%dma_wait3A_268, %dma_wait3A_269] : memref<22x256xf32, #tpu.memory_space<vmem>> -> memref<1x256xf32, #tpu.memory_space<vmem>>
    %dma_wait3A_271 = arith.constant 0 : i32
    %dma_wait3A_272 = tpu.memref_slice %arg4[%mul3A_2, %dma_wait3A_271] : memref<98304x256xf32, #tpu.memory_space<hbm>> -> memref<1x256xf32, #tpu.memory_space<hbm>>
    %dma_wait3A_273 = arith.constant 0 : i32
    %dma_wait3A_274 = tpu.memref_slice %arg4[%mul3A_2, %dma_wait3A_273] : memref<98304x256xf32, #tpu.memory_space<hbm>> -> memref<1x256xf32, #tpu.memory_space<hbm>>
    %dma_wait3A_275 = arith.constant 0 : i32
    %dma_wait3A_276 = arith.constant 0 : i32
    %dma_wait3A_277 = tpu.memref_slice %arg5[%dma_wait3A_275, %dma_wait3A_276] : memref<22x256xf32, #tpu.memory_space<vmem>> -> memref<1x256xf32, #tpu.memory_space<vmem>>
    tpu.wait_dma2 semaphore(%arg7 : memref<!tpu.dma_semaphore, #tpu.memory_space<semaphore_mem>>) src(%dma_wait3A_277 : memref<1x256xf32, #tpu.memory_space<vmem>>) dst(%dma_wait3A_274 : memref<1x256xf32, #tpu.memory_space<hbm>>)
    %dma_wait3A_278 = arith.constant 0 : i32
    %dma_wait3A_279 = arith.constant 0 : i32
    %dma_wait3A_280 = tpu.memref_slice %arg5[%dma_wait3A_278, %dma_wait3A_279] : memref<22x256xf32, #tpu.memory_space<vmem>> -> memref<1x256xf32, #tpu.memory_space<vmem>>
    %dma_wait3A_281 = arith.constant 0 : i32
    %dma_wait3A_282 = tpu.memref_slice %arg4[%mul3A_2, %dma_wait3A_281] : memref<98304x256xf32, #tpu.memory_space<hbm>> -> memref<1x256xf32, #tpu.memory_space<hbm>>
    %dma_wait3A_283 = arith.constant 0 : i32
    %dma_wait3A_284 = tpu.memref_slice %arg4[%mul3A_2, %dma_wait3A_283] : memref<98304x256xf32, #tpu.memory_space<hbm>> -> memref<1x256xf32, #tpu.memory_space<hbm>>
    %dma_wait3A_285 = arith.constant 0 : i32
    %dma_wait3A_286 = arith.constant 0 : i32
    %dma_wait3A_287 = tpu.memref_slice %arg5[%dma_wait3A_285, %dma_wait3A_286] : memref<22x256xf32, #tpu.memory_space<vmem>> -> memref<1x256xf32, #tpu.memory_space<vmem>>
    tpu.wait_dma2 semaphore(%arg7 : memref<!tpu.dma_semaphore, #tpu.memory_space<semaphore_mem>>) src(%dma_wait3A_287 : memref<1x256xf32, #tpu.memory_space<vmem>>) dst(%dma_wait3A_284 : memref<1x256xf32, #tpu.memory_space<hbm>>)
    %dma_wait3A_288 = arith.constant 0 : i32
    %dma_wait3A_289 = arith.constant 0 : i32
    %dma_wait3A_290 = tpu.memref_slice %arg5[%dma_wait3A_288, %dma_wait3A_289] : memref<22x256xf32, #tpu.memory_space<vmem>> -> memref<1x256xf32, #tpu.memory_space<vmem>>
    %dma_wait3A_291 = arith.constant 0 : i32
    %dma_wait3A_292 = tpu.memref_slice %arg4[%mul3A_2, %dma_wait3A_291] : memref<98304x256xf32, #tpu.memory_space<hbm>> -> memref<1x256xf32, #tpu.memory_space<hbm>>
    %dma_wait3A_293 = arith.constant 0 : i32
    %dma_wait3A_294 = tpu.memref_slice %arg4[%mul3A_2, %dma_wait3A_293] : memref<98304x256xf32, #tpu.memory_space<hbm>> -> memref<1x256xf32, #tpu.memory_space<hbm>>
    %dma_wait3A_295 = arith.constant 0 : i32
    %dma_wait3A_296 = arith.constant 0 : i32
    %dma_wait3A_297 = tpu.memref_slice %arg5[%dma_wait3A_295, %dma_wait3A_296] : memref<22x256xf32, #tpu.memory_space<vmem>> -> memref<1x256xf32, #tpu.memory_space<vmem>>
    tpu.wait_dma2 semaphore(%arg7 : memref<!tpu.dma_semaphore, #tpu.memory_space<semaphore_mem>>) src(%dma_wait3A_297 : memref<1x256xf32, #tpu.memory_space<vmem>>) dst(%dma_wait3A_294 : memref<1x256xf32, #tpu.memory_space<hbm>>)
    %dma_wait3A_298 = arith.constant 0 : i32
    %dma_wait3A_299 = arith.constant 0 : i32
    %dma_wait3A_300 = tpu.memref_slice %arg5[%dma_wait3A_298, %dma_wait3A_299] : memref<22x256xf32, #tpu.memory_space<vmem>> -> memref<1x256xf32, #tpu.memory_space<vmem>>
    %dma_wait3A_301 = arith.constant 0 : i32
    %dma_wait3A_302 = tpu.memref_slice %arg4[%mul3A_2, %dma_wait3A_301] : memref<98304x256xf32, #tpu.memory_space<hbm>> -> memref<1x256xf32, #tpu.memory_space<hbm>>
    %dma_wait3A_303 = arith.constant 0 : i32
    %dma_wait3A_304 = tpu.memref_slice %arg4[%mul3A_2, %dma_wait3A_303] : memref<98304x256xf32, #tpu.memory_space<hbm>> -> memref<1x256xf32, #tpu.memory_space<hbm>>
    %dma_wait3A_305 = arith.constant 0 : i32
    %dma_wait3A_306 = arith.constant 0 : i32
    %dma_wait3A_307 = tpu.memref_slice %arg5[%dma_wait3A_305, %dma_wait3A_306] : memref<22x256xf32, #tpu.memory_space<vmem>> -> memref<1x256xf32, #tpu.memory_space<vmem>>
    tpu.wait_dma2 semaphore(%arg7 : memref<!tpu.dma_semaphore, #tpu.memory_space<semaphore_mem>>) src(%dma_wait3A_307 : memref<1x256xf32, #tpu.memory_space<vmem>>) dst(%dma_wait3A_304 : memref<1x256xf32, #tpu.memory_space<hbm>>)
    %dma_wait3A_308 = arith.constant 0 : i32
    %dma_wait3A_309 = arith.constant 0 : i32
    %dma_wait3A_310 = tpu.memref_slice %arg5[%dma_wait3A_308, %dma_wait3A_309] : memref<22x256xf32, #tpu.memory_space<vmem>> -> memref<1x256xf32, #tpu.memory_space<vmem>>
    %dma_wait3A_311 = arith.constant 0 : i32
    %dma_wait3A_312 = tpu.memref_slice %arg4[%mul3A_2, %dma_wait3A_311] : memref<98304x256xf32, #tpu.memory_space<hbm>> -> memref<1x256xf32, #tpu.memory_space<hbm>>
    %dma_wait3A_313 = arith.constant 0 : i32
    %dma_wait3A_314 = tpu.memref_slice %arg4[%mul3A_2, %dma_wait3A_313] : memref<98304x256xf32, #tpu.memory_space<hbm>> -> memref<1x256xf32, #tpu.memory_space<hbm>>
    %dma_wait3A_315 = arith.constant 0 : i32
    %dma_wait3A_316 = arith.constant 0 : i32
    %dma_wait3A_317 = tpu.memref_slice %arg5[%dma_wait3A_315, %dma_wait3A_316] : memref<22x256xf32, #tpu.memory_space<vmem>> -> memref<1x256xf32, #tpu.memory_space<vmem>>
    tpu.wait_dma2 semaphore(%arg7 : memref<!tpu.dma_semaphore, #tpu.memory_space<semaphore_mem>>) src(%dma_wait3A_317 : memref<1x256xf32, #tpu.memory_space<vmem>>) dst(%dma_wait3A_314 : memref<1x256xf32, #tpu.memory_space<hbm>>)
    %dma_wait3A_318 = arith.constant 0 : i32
    %dma_wait3A_319 = arith.constant 0 : i32
    %dma_wait3A_320 = tpu.memref_slice %arg5[%dma_wait3A_318, %dma_wait3A_319] : memref<22x256xf32, #tpu.memory_space<vmem>> -> memref<1x256xf32, #tpu.memory_space<vmem>>
    %dma_wait3A_321 = arith.constant 0 : i32
    %dma_wait3A_322 = tpu.memref_slice %arg4[%mul3A_2, %dma_wait3A_321] : memref<98304x256xf32, #tpu.memory_space<hbm>> -> memref<1x256xf32, #tpu.memory_space<hbm>>
    %dma_wait3A_323 = arith.constant 0 : i32
    %dma_wait3A_324 = tpu.memref_slice %arg4[%mul3A_2, %dma_wait3A_323] : memref<98304x256xf32, #tpu.memory_space<hbm>> -> memref<1x256xf32, #tpu.memory_space<hbm>>
    %dma_wait3A_325 = arith.constant 0 : i32
    %dma_wait3A_326 = arith.constant 0 : i32
    %dma_wait3A_327 = tpu.memref_slice %arg5[%dma_wait3A_325, %dma_wait3A_326] : memref<22x256xf32, #tpu.memory_space<vmem>> -> memref<1x256xf32, #tpu.memory_space<vmem>>
    tpu.wait_dma2 semaphore(%arg7 : memref<!tpu.dma_semaphore, #tpu.memory_space<semaphore_mem>>) src(%dma_wait3A_327 : memref<1x256xf32, #tpu.memory_space<vmem>>) dst(%dma_wait3A_324 : memref<1x256xf32, #tpu.memory_space<hbm>>)
    return
  }
}

module attributes {stable_mosaic.version = 14 : i64} {
  func.func @_z_body(%arg0: i32, %arg1: memref<1x384xi32, #tpu.memory_space<vmem>>, %arg2: memref<1x1x32xi32, #tpu.memory_space<vmem>>, %arg3: memref<22x64xf32, #tpu.memory_space<vmem>>, %arg4: memref<65x64xf32, #tpu.memory_space<vmem>>, %arg5: memref<64x128xf32, #tpu.memory_space<vmem>>, %arg6: memref<1x128xf32, #tpu.memory_space<vmem>>, %arg7: memref<1x32x384x128xf32, #tpu.memory_space<vmem>>) attributes {dimension_semantics = [#tpu.dimension_semantics<arbitrary>], iteration_bounds = array<i64: 12>, scalar_prefetch = 0 : i64, scratch_operands = 0 : i64, tpu.core_type = #tpu.core_type<tc>, window_params = [{pipeline_mode = #tpu.pipeline_mode<synchronous>, transform_indices = @transform_0, window_bounds = array<i64: 1, 384>}, {transform_indices = @transform_1, window_bounds = array<i64: 1, 1, 32>}, {pipeline_mode = #tpu.pipeline_mode<synchronous>, transform_indices = @transform_2, window_bounds = array<i64: 22, 64>}, {pipeline_mode = #tpu.pipeline_mode<synchronous>, transform_indices = @transform_3, window_bounds = array<i64: 65, 64>}, {pipeline_mode = #tpu.pipeline_mode<synchronous>, transform_indices = @transform_4, window_bounds = array<i64: 64, 128>}, {pipeline_mode = #tpu.pipeline_mode<synchronous>, transform_indices = @transform_5, window_bounds = array<i64: 1, 128>}, {transform_indices = @transform_6, window_bounds = array<i64: 1, 32, 384, 128>}]} {
    %get3A = arith.constant 0 : index
    %get3A_0 = arith.constant 0 : index
    %get3A_1 = vector.load %arg3[%get3A, %get3A_0] : memref<22x64xf32, #tpu.memory_space<vmem>>, vector<22x64xf32>
    %get3A_2 = arith.constant 0 : index
    %get3A_3 = arith.constant 0 : index
    %get3A_4 = vector.load %arg1[%get3A_2, %get3A_3] : memref<1x384xi32, #tpu.memory_space<vmem>>, vector<1x384xi32>
    %broadcast_in_dim3A = vector.shape_cast %get3A_4 : vector<1x384xi32> to vector<1x384x1xi32>
    %broadcast_in_dim3A_5 = vector.broadcast %broadcast_in_dim3A : vector<1x384x1xi32> to vector<1x384x22xi32>
    %iota3A = tpu.iota {dimensions = array<i32: 2>} : vector<1x384x22xi32>
    %eq3A = arith.cmpi eq, %broadcast_in_dim3A_5, %iota3A : vector<1x384x22xi32>
    %convert_element_type3A = arith.extui %eq3A : vector<1x384x22xi1> to vector<1x384x22xi32>
    %convert_element_type3A_6 = arith.sitofp %convert_element_type3A : vector<1x384x22xi32> to vector<1x384x22xf32>
    %reshape3A = vector.shape_cast %convert_element_type3A_6 : vector<1x384x22xf32> to vector<384x22xf32>
    %dot_general3A = arith.constant dense<0.000000e+00> : vector<384x64xf32>
    %dot_general3A_7 = tpu.matmul %reshape3A, %get3A_1, %dot_general3A {dimension_numbers = #tpu.dot_dimension_numbers<[1], [0], [0], [1], [0, 0, 1, 1], [], []>, transpose_lhs_hint = false} : vector<384x22xf32>, vector<22x64xf32>, vector<384x64xf32> -> vector<384x64xf32>
    %get3A_8 = arith.constant 0 : index
    %get3A_9 = arith.constant 0 : index
    %get3A_10 = arith.constant 0 : index
    %get3A_11 = vector.load %arg2[%get3A_8, %get3A_9, %get3A_10] : memref<1x1x32xi32, #tpu.memory_space<vmem>>, vector<1x1x32xi32>
    %reshape3A_12 = vector.shape_cast %get3A_11 : vector<1x1x32xi32> to vector<1x32xi32>
    %broadcast_in_dim3A_13 = vector.shape_cast %reshape3A_12 : vector<1x32xi32> to vector<1x32x1xi32>
    %broadcast_in_dim3A_14 = vector.broadcast %broadcast_in_dim3A_13 : vector<1x32x1xi32> to vector<1x32x22xi32>
    %iota3A_15 = tpu.iota {dimensions = array<i32: 2>} : vector<1x32x22xi32>
    %eq3A_16 = arith.cmpi eq, %broadcast_in_dim3A_14, %iota3A_15 : vector<1x32x22xi32>
    %convert_element_type3A_17 = arith.extui %eq3A_16 : vector<1x32x22xi1> to vector<1x32x22xi32>
    %convert_element_type3A_18 = arith.sitofp %convert_element_type3A_17 : vector<1x32x22xi32> to vector<1x32x22xf32>
    %reshape3A_19 = vector.shape_cast %convert_element_type3A_18 : vector<1x32x22xf32> to vector<32x22xf32>
    %dot_general3A_20 = arith.constant dense<0.000000e+00> : vector<32x64xf32>
    %dot_general3A_21 = tpu.matmul %reshape3A_19, %get3A_1, %dot_general3A_20 {dimension_numbers = #tpu.dot_dimension_numbers<[1], [0], [0], [1], [0, 0, 1, 1], [], []>, transpose_lhs_hint = false} : vector<32x22xf32>, vector<22x64xf32>, vector<32x64xf32> -> vector<32x64xf32>
    %get3A_22 = arith.constant 0 : index
    %get3A_23 = arith.constant 0 : index
    %get3A_24 = vector.load %arg4[%get3A_22, %get3A_23] : memref<65x64xf32, #tpu.memory_space<vmem>>, vector<65x64xf32>
    %get3A_25 = arith.constant 0 : index
    %get3A_26 = arith.constant 0 : index
    %get3A_27 = vector.load %arg5[%get3A_25, %get3A_26] : memref<64x128xf32, #tpu.memory_space<vmem>>, vector<64x128xf32>
    %dot_general3A_28 = arith.constant dense<0.000000e+00> : vector<65x128xf32>
    %dot_general3A_29 = tpu.matmul %get3A_24, %get3A_27, %dot_general3A_28 {dimension_numbers = #tpu.dot_dimension_numbers<[1], [0], [0], [1], [0, 0, 1, 1], [], []>, transpose_lhs_hint = false} : vector<65x64xf32>, vector<64x128xf32>, vector<65x128xf32> -> vector<65x128xf32>
    %get3A_30 = arith.constant 0 : index
    %get3A_31 = arith.constant 0 : index
    %get3A_32 = vector.load %arg6[%get3A_30, %get3A_31] : memref<1x128xf32, #tpu.memory_space<vmem>>, vector<1x128xf32>
    %add3A = vector.broadcast %get3A_32 : vector<1x128xf32> to vector<65x128xf32>
    %add3A_33 = arith.addf %dot_general3A_29, %add3A : vector<65x128xf32>
    %mul3A = arith.constant 32 : i32
    %mul3A_34 = arith.muli %arg0, %mul3A : i32
    %iota3A_35 = tpu.iota {dimensions = array<i32: 0>} : vector<32x384xi32>
    %add3A_36 = vector.broadcast %mul3A_34 : i32 to vector<32x384xi32>
    %add3A_37 = arith.addi %add3A_36, %iota3A_35 : vector<32x384xi32>
    %iota3A_38 = tpu.iota {dimensions = array<i32: 1>} : vector<32x384xi32>
    %sub3A = arith.subi %add3A_37, %iota3A_38 : vector<32x384xi32>
    %jit3A = arith.constant -32 : i32
    %jit3A_39 = arith.constant 32 : i32
    %max3A = vector.broadcast %jit3A : i32 to vector<32x384xi32>
    %max3A_40 = arith.maxsi %max3A, %sub3A : vector<32x384xi32>
    %min3A = vector.broadcast %jit3A_39 : i32 to vector<32x384xi32>
    %min3A_41 = arith.minsi %min3A, %max3A_40 : vector<32x384xi32>
    %add3A_42 = arith.constant 32 : i32
    %add3A_43 = vector.broadcast %add3A_42 : i32 to vector<32x384xi32>
    %add3A_44 = arith.addi %min3A_41, %add3A_43 : vector<32x384xi32>
    %broadcast_in_dim3A_45 = vector.shape_cast %add3A_44 : vector<32x384xi32> to vector<32x384x1xi32>
    %broadcast_in_dim3A_46 = vector.broadcast %broadcast_in_dim3A_45 : vector<32x384x1xi32> to vector<32x384x65xi32>
    %iota3A_47 = tpu.iota {dimensions = array<i32: 2>} : vector<32x384x65xi32>
    %eq3A_48 = arith.cmpi eq, %broadcast_in_dim3A_46, %iota3A_47 : vector<32x384x65xi32>
    %convert_element_type3A_49 = arith.extui %eq3A_48 : vector<32x384x65xi1> to vector<32x384x65xi32>
    %convert_element_type3A_50 = arith.sitofp %convert_element_type3A_49 : vector<32x384x65xi32> to vector<32x384x65xf32>
    %reshape3A_51 = vector.shape_cast %convert_element_type3A_50 : vector<32x384x65xf32> to vector<12288x65xf32>
    %dot_general3A_52 = arith.constant dense<0.000000e+00> : vector<12288x128xf32>
    %dot_general3A_53 = tpu.matmul %reshape3A_51, %add3A_33, %dot_general3A_52 {dimension_numbers = #tpu.dot_dimension_numbers<[1], [0], [0], [1], [0, 0, 1, 1], [], []>, transpose_lhs_hint = false} : vector<12288x65xf32>, vector<65x128xf32>, vector<12288x128xf32> -> vector<12288x128xf32>
    %broadcast_in_dim3A_54 = arith.constant 0.000000e+00 : f32
    %broadcast_in_dim3A_55 = vector.broadcast %broadcast_in_dim3A_54 : f32 to vector<32x64xf32>
    %broadcast_in_dim3A_56 = arith.constant 0.000000e+00 : f32
    %broadcast_in_dim3A_57 = vector.broadcast %broadcast_in_dim3A_56 : f32 to vector<384x64xf32>
    %concatenate3A = tpu.concatenate %dot_general3A_21, %broadcast_in_dim3A_55 in 1 : vector<32x64xf32>, vector<32x64xf32> -> vector<32x128xf32>
    %concatenate3A_58 = tpu.concatenate %broadcast_in_dim3A_57, %dot_general3A_7 in 1 : vector<384x64xf32>, vector<384x64xf32> -> vector<384x128xf32>
    %reshape3A_59 = vector.shape_cast %dot_general3A_53 : vector<12288x128xf32> to vector<32x384x128xf32>
    %broadcast_in_dim3A_60 = vector.shape_cast %concatenate3A : vector<32x128xf32> to vector<32x1x128xf32>
    %add3A_61 = vector.broadcast %broadcast_in_dim3A_60 : vector<32x1x128xf32> to vector<32x384x128xf32>
    %add3A_62 = arith.addf %reshape3A_59, %add3A_61 : vector<32x384x128xf32>
    %broadcast_in_dim3A_63 = vector.shape_cast %concatenate3A_58 : vector<384x128xf32> to vector<1x384x128xf32>
    %add3A_64 = vector.broadcast %broadcast_in_dim3A_63 : vector<1x384x128xf32> to vector<32x384x128xf32>
    %add3A_65 = arith.addf %add3A_62, %add3A_64 : vector<32x384x128xf32>
    %reshape3A_66 = vector.shape_cast %add3A_65 : vector<32x384x128xf32> to vector<1x32x384x128xf32>
    %swap3A = arith.constant 0 : index
    %swap3A_67 = arith.constant 0 : index
    %swap3A_68 = arith.constant 0 : index
    %swap3A_69 = arith.constant 0 : index
    %swap3A_70 = vector.load %arg7[%swap3A, %swap3A_67, %swap3A_68, %swap3A_69] : memref<1x32x384x128xf32, #tpu.memory_space<vmem>>, vector<1x32x384x128xf32>
    tpu.vector_store %arg7[%swap3A, %swap3A_67, %swap3A_68, %swap3A_69], %reshape3A_66 {strides = array<i32>} : memref<1x32x384x128xf32, #tpu.memory_space<vmem>>, vector<1x32x384x128xf32>,
    return
  }
  func.func @transform_0(%arg0: i32) -> (i32, i32) {
    %c0_i32 = arith.constant 0 : i32
    %c0_i32_0 = arith.constant 0 : i32
    %c0_i32_1 = arith.constant 0 : i32
    return %c0_i32, %c0_i32_0 : i32, i32
  }
  func.func @transform_1(%arg0: i32) -> (i32, i32, i32) {
    %c0_i32 = arith.constant 0 : i32
    %c0_i32_0 = arith.constant 0 : i32
    %c0_i32_1 = arith.constant 0 : i32
    return %arg0, %c0_i32, %c0_i32_0 : i32, i32, i32
  }
  func.func @transform_2(%arg0: i32) -> (i32, i32) {
    %c0_i32 = arith.constant 0 : i32
    %c0_i32_0 = arith.constant 0 : i32
    %c0_i32_1 = arith.constant 0 : i32
    return %c0_i32, %c0_i32_0 : i32, i32
  }
  func.func @transform_3(%arg0: i32) -> (i32, i32) {
    %c0_i32 = arith.constant 0 : i32
    %c0_i32_0 = arith.constant 0 : i32
    %c0_i32_1 = arith.constant 0 : i32
    return %c0_i32, %c0_i32_0 : i32, i32
  }
  func.func @transform_4(%arg0: i32) -> (i32, i32) {
    %c0_i32 = arith.constant 0 : i32
    %c0_i32_0 = arith.constant 0 : i32
    %c0_i32_1 = arith.constant 0 : i32
    return %c0_i32, %c0_i32_0 : i32, i32
  }
  func.func @transform_5(%arg0: i32) -> (i32, i32) {
    %c0_i32 = arith.constant 0 : i32
    %c0_i32_0 = arith.constant 0 : i32
    %c0_i32_1 = arith.constant 0 : i32
    return %c0_i32, %c0_i32_0 : i32, i32
  }
  func.func @transform_6(%arg0: i32) -> (i32, i32, i32, i32) {
    %c0_i32 = arith.constant 0 : i32
    %c0_i32_0 = arith.constant 0 : i32
    %c0_i32_1 = arith.constant 0 : i32
    %c0_i32_2 = arith.constant 0 : i32
    return %c0_i32, %arg0, %c0_i32_0, %c0_i32_1 : i32, i32, i32, i32
  }
}

</mosaic_0001>

<sc_bundles>
// kernel: kernel.4.cloned.1.call-start
scs
__scs_entry_jumppad:
0x0: {  	(pc) =	sbr.rel $0x88, $3  }
0x1: {  	(tag) =	ssettag $0x0;
	lr =	simm.s32 $0x1  }
0x2: {  	[smem:$0x3F9A] =	sst lr;
	_ =	strace $0xD0000000  }
0x3: {  	_ = 	snop  }
0x4: {  	_ = 	snop  }
0x5: {  	_ = 	snop  }
0x6: {  	_ = 	snop  }
0x7: {  	_ = 	snop  }
__scs_overlays_trampoline_lowered:
0x8: {  	[smem:$0x3FA9] =	sst s0  }
0x9: {  	[smem:$0x3FAA] =	sst s1  }
0xa: {  	[smem:$0x3FAB] =	sst s2  }
0xb: {  	[smem:$0x3FAC] =	sst s3  }
0xc: {  	[smem:$0x3FAD] =	sst s4  }
0xd: {  	[smem:$0x3FAE] =	sst s5  }
0xe: {  	[smem:$0x3FAF] =	sst s6  }
0xf: {  	[smem:$0x3FB0] =	sst s7  }
0x10: {  	[smem:$0x3FB1] =	sst s8  }
0x11: {  	[smem:$0x3FB2] =	sst s9;
	s0 =	simm.s32 @!p0 $0x0  }
0x12: {  	s1 =	sld [smem:$0x3F98];
	s0 =	simm.s32 @p0 $0x1  }
0x13: {  	[smem:$0x3FB3] =	sst s0;
	s0 =	simm.s32 @!p1 $0x0  }
0x14: {  	s2 =	sld [smem:$0x3F97];
	s0 =	simm.s32 @p1 $0x1  }
0x15: {  	[smem:$0x3FB4] =	sst s0;
	s0 =	simm.s32 @!p2 $0x0  }
0x16: {  	s3 =	sld [smem:$0x3FDB];
	s0 =	simm.s32 @p2 $0x1  }
0x17: {  	s4 =	simm.s32 $0x1BF5;
	[smem:$0x3FB6] =	sst s0  }
0x18: {  	s0 =	sld [smem:$0x3F99];
	_ =	swait.ge [sflag:s4], $0x0  }
0x19: {  	s7 =	sld [smem:$0x3F9A]  }
0x1a: {  	s8 =	sadd.s32 $0xFFFFE003, lr  }
0x1b: {  	s9 =	sadd.s32 $0xFFFFFEF7, lr;
	s5 =	simm.s32 $0xFFFFFFFF;
	p2 =	slt.u32 s8, $0xFFFFF086  }
0x1c: {  	p1 =	slt.u32 s9, $0xF7A;
	s5 =	simm.s32 @!p2 $0x0  }
0x1d: {  	s5 =	simm.s32 @p1 $0x1;
	p0 =	seq.s32 s7, s2  }
0x1e: {  	s7 =	smul.u32 @!p0 $0xF7A, s2;
	p2 =	seq.s32 @!p0 s5, $0x0  }
0x1f: {  	s9 =	smul.u32 $0xF7A, s1;
	s8 =	simm.s32 @!p0 $0x1BF5;
	p2 =	por !p2, p0  }
0x20: {  	[sflag:s8] =	ssyncset.s32 @!p0 $0xFFFFF086;
	s6 =	sadd.s32 @!p0 s3, s7;
	s7 =	simm.s32 @!p0 $0x108  }
0x21: {  	s3 =	sadd.s32 s3, s9;
	s6 =	sadd.s32 @!p0 $0x88, s6;
	s7 =	simm.s32 @p2 $0x1082  }
0x22: {  	[simem:s7], [sflag:s8] =	dma.local @!p0 [hbm:s6], $0xF7A  }
0x23: {  	s9 =	sor.u32 $0xD0000000, s2;
	s6 =	simm.s32 $0x108;
	_ =	swait.ge @!p0 [sflag:s8], $0x0  }
0x24: {  	s3 =	sadd.s32 $0x88, s3;
	s6 =	simm.s32 @!p1 $0x1082;
	[sflag:s4] =	ssyncset.s32 $0xFFFFF086  }
0x25: {  	[simem:s6], [sflag:s4] =	dma.local [hbm:s3], $0xF7A  }
0x26: {  	[smem:$0x3F9A] =	sst s1;
	(tag) =	ssettag s2;
	_ =	strace s9  }
0x27: {  	s1 =	sld [smem:$0x3FAA]  }
0x28: {  	s2 =	sld [smem:$0x3FAB]  }
0x29: {  	s4 =	sld [smem:$0x3FAD]  }
0x2a: {  	p0 =	seq.s32 s5, $0x0;
	s5 =	sld [smem:$0x3FAE]  }
0x2b: {  	s6 =	sld [smem:$0x3FAF]  }
0x2c: {  	s7 =	sld [smem:$0x3FB0]  }
0x2d: {  	s3 =	simm.s32 $0x108;
	s8 =	sld [smem:$0x3FB1]  }
0x2e: {  	s3 =	simm.s32 @!p0 $0x1082;
	s9 =	sld [smem:$0x3FB2]  }
0x2f: {  	lr =	sadd.s32 s0, s3;
	s0 =	sld [smem:$0x3FA9]  }
0x30: {  	s3 =	sld [smem:$0x3FAC]  }
0x31: {  	[smem:$0x3FB5] =	sst s10  }
0x32: {  	s10 =	sld [smem:$0x3FB3];
	_ =	sdelay $0x3  }
0x33: {  	p0 =	seq.s32 s10, $0x1;
	s10 =	sld [smem:$0x3FB5];
	_ =	sdelay $0x3  }
0x34: {  	[smem:$0x3FB5] =	sst s10  }
0x35: {  	s10 =	sld [smem:$0x3FB4];
	_ =	sdelay $0x3  }
0x36: {  	p1 =	seq.s32 s10, $0x1;
	s10 =	sld [smem:$0x3FB5];
	_ =	sdelay $0x3  }
0x37: {  	[smem:$0x3FB5] =	sst s10  }
0x38: {  	s10 =	sld [smem:$0x3FB6]  }
0x39: {  	_ = 	snop;
	(pc) =	sbr.ind lr, $3  }
0x3a: {  	_ = 	snop  }
0x3b: {  	_ = 	snop  }
0x3c: {  	p2 =	seq.s32 s10, $0x1;
	s10 =	sld [smem:$0x3FB5]  }
0x3d: {  	_ =	shalt  }
0x3e: {  	_ =	shalt  }
0x3f: {  	_ =	shalt  }
0x40: {  	_ =	shalt  }
0x41: {  	_ =	shalt  }
0x42: {  	_ =	shalt  }
0x43: {  	_ =	shalt  }
0x44: {  	_ =	shalt  }
0x45: {  	_ =	shalt  }
0x46: {  	_ =	shalt  }
0x47: {  	_ =	shalt  }
0x48: {  	_ =	shalt  }
0x49: {  	_ =	shalt  }
0x4a: {  	_ =	shalt  }
0x4b: {  	_ =	shalt  }
0x4c: {  	_ =	shalt  }
0x4d: {  	_ =	shalt  }
0x4e: {  	_ =	shalt  }
0x4f: {  	_ =	shalt  }
0x50: {  	_ =	shalt  }
0x51: {  	_ =	shalt  }
0x52: {  	_ =	shalt  }
0x53: {  	_ =	shalt  }
0x54: {  	_ =	shalt  }
0x55: {  	_ =	shalt  }
0x56: {  	_ =	shalt  }
0x57: {  	_ =	shalt  }
0x58: {  	_ =	shalt  }
0x59: {  	_ =	shalt  }
0x5a: {  	_ =	shalt  }
0x5b: {  	_ =	shalt  }
0x5c: {  	_ =	shalt  }
0x5d: {  	_ =	shalt  }
0x5e: {  	_ =	shalt  }
0x5f: {  	_ =	shalt  }
0x60: {  	_ =	shalt  }
0x61: {  	_ =	shalt  }
0x62: {  	_ =	shalt  }
0x63: {  	_ =	shalt  }
0x64: {  	_ =	shalt  }
0x65: {  	_ =	shalt  }
0x66: {  	_ =	shalt  }
0x67: {  	_ =	shalt  }
0x68: {  	_ =	shalt  }
0x69: {  	_ =	shalt  }
0x6a: {  	_ =	shalt  }
0x6b: {  	_ =	shalt  }
0x6c: {  	_ =	shalt  }
0x6d: {  	_ =	shalt  }
0x6e: {  	_ =	shalt  }
0x6f: {  	_ =	shalt  }
0x70: {  	_ =	shalt  }
0x71: {  	_ =	shalt  }
0x72: {  	_ =	shalt  }
0x73: {  	_ =	shalt  }
0x74: {  	_ =	shalt  }
0x75: {  	_ =	shalt  }
0x76: {  	_ =	shalt  }
0x77: {  	_ =	shalt  }
0x78: {  	_ =	shalt  }
0x79: {  	_ =	shalt  }
0x7a: {  	_ =	shalt  }
0x7b: {  	_ =	shalt  }
0x7c: {  	_ =	shalt  }
0x7d: {  	_ =	shalt  }
0x7e: {  	_ =	shalt  }
0x7f: {  	_ =	shalt  }
0x80: {  	_ =	shalt  }
0x81: {  	_ =	shalt  }
0x82: {  	_ =	shalt  }
0x83: {  	_ =	shalt  }
0x84: {  	_ =	shalt  }
0x85: {  	_ =	shalt  }
0x86: {  	_ =	shalt  }
0x87: {  	_ =	shalt  }
.Lfunc_end0:
.L_simem_size_0:
called_computation_lowered:
.L_overlay_start_0:
0x88: {  	s2 =	sld [smem:$0x3FD9]  }
0x89: {  	s3 =	sld [smem:$0x3FFE];
	_ =	sdelay $0x1  }
0x8a: {  	s1 =	srdreg.scid  }
0x8b: {  	s0 =	sand.u32 $0x1, s1  }
0x8c: {  	s14 =	sshll.u32 s0, $0xA;
	s2 =	sadd.s32 s3, s2  }
0x8d: {  	s2 =	sadd.s32 s2, s14  }
0x8e: {  	[smem:$0x3FC1] =	sst s2  }
0x8f: {  	_ = 	snop  }
0x90: {  	s2 =	sld [smem:$0x3FD0];
	_ =	sdelay $0x2  }
0x91: {  	s4 =	simm.s32 $0xA;
	s5 =	simm.s32 $0x10;
	s15 =	sld [smem:$0x3FC7]  }
0x92: {  	[smem:s5], [sflag:s4] =	dma.local [hbm:s2], $0x1  }
0x93: {  	_ =	swait.eq [sflag:s4], $0x1  }
0x94: {  	[sflag:s4] =	ssyncset.done $0x0  }
0x95: {  	[sflag:s4] =	ssyncadd.s32 $0xFFFFFFFF  }
0x96: {  	s16 =	sld [smem:$0x10];
	(tm) =	ssettm $0x1  }
0x97: {  	s17 =	sld [smem:$0x3FFB];
	_ =	sdelay $0x3  }
0x98: {  	_ =	strace s17  }
0x99: {  	s4 =	sld [smem:$0x3FFC];
	_ =	sdelay $0x3  }
0x9a: {  	_ =	strace s4  }
0x9b: {  	s4 =	sld [smem:$0x3FFD];
	_ =	sdelay $0x3  }
0x9c: {  	_ =	strace s4  }
0x9d: {  	_ =	strace $0x8FFFFFFF  }
0x9e: {  	s18 =	sld [smem:$0x3FDB];
	_ =	sdelay $0x1  }
0x9f: {  	s19 =	simm.s32 $_scs_section_size  }
0xa0: {  	s6 =	simm.s32 $_size__tile_overlayer_lowered;
	s7 =	simm.s32 $_tile_overlayer_lowered  }
0xa1: {  	s22 =	simm.s32 $0x1BFF;
	s21 =	sshll.u32 s7, $0x1;
	s4 =	sadd.s32 s19, s18  }
0xa2: {  	s8 =	simm.s32 $0x0;
	s20 =	sshll.u32 s6, $0x1;
	s6 =	sadd.s32 s21, s4  }
0xa3: {  	[timem:s8], [sflag:s22] =	dma.local [hbm:s6], s20  }
0xa4: {  	_ =	swait.ge [sflag:s22], s20  }
0xa5: {  	s5 =	ssub.s32 $0x0, s20;
	[sflag:s22] =	ssyncset.done $0x0  }
0xa6: {  	[sflag:s22] =	ssyncadd.s32 s5;
	_ =	sdelay $0x1  }
0xa7: {  	s23 =	simm.s32 $0x1B8B  }
0xa8: {  	_ =	swait.ge [sflag:s23], $0x1  }
0xa9: {  	[sflag:s23] =	ssyncset.done $0x0  }
0xaa: {  	s25 =	simm.s32 $0x1B8E;
	s24 =	sld [smem:$0x3FFE];
	[sflag:s23] =	ssyncadd.s32 $0xFFFFFFFF  }
0xab: {  	s26 =	simm.s32 $execute0_lowered;
	[smem:$0x3FD2] =	sst s25  }
0xac: {  	s6 =	sshll.u32 s26, $0x1;
	_ =	strace $0x80000046;
	[dreg:$0x1] =	wrdreg $0xFFFFFFFF  }
0xad: {  	s28 =	simm.s32 $_size_execute0_lowered;
	s4 =	sadd.s32 s4, s6;
	[dreg:$0x0] =	wrdreg $0x0  }
0xae: {  	s6 =	sshll.u32 s28, $0x1;
	[dreg:$0x2] =	wrdreg s4  }
0xaf: {  	[dreg:$0x3] =	wrdreg s6  }
0xb0: {  	[dreg:$0x4] =	wrdreg $0xC0  }
0xb1: {  	_ =	task [dreg:s8], $0x5FFFF  }
0xb2: {  	[dreg:$0x1] =	wrdreg $0xFFFFFFFF  }
0xb3: {  	[dreg:$0x0] =	wrdreg $0x60  }
0xb4: {  	[dreg:$0x2] =	wrdreg s24  }
0xb5: {  	[dreg:$0x3] =	wrdreg s15  }
0xb6: {  	[dreg:$0x4] =	wrdreg s16  }
0xb7: {  	[dreg:$0x5] =	wrdreg $0x9  }
0xb8: {  	_ =	task.clear_ibuf [dreg:s8], $0x6FFFF;
	_ =	strace $0x90000046  }
0xb9: {  	s29 =	simm.s32 $0x9;
	_ =	strace $0x80000048  }
0xba: {  	_ =	swait.ge [sflag:s29], $0x1  }
0xbb: {  	[sflag:s29] =	ssyncadd.s32 $0xFFFFFFFF  }
0xbc: {  	_ =	strace $0x90000048  }
0xbd: {  	_ =	sfence  }
0xbe: {  	s30 =	sld [smem:$0x0];
	_ =	sdelay $0x2  }
0xbf: {  	s31 =	sshll.u32 s1, $0xD;
	s1 =	sshrl.u32 s1, $0x2  }
0xc0: {  	s3 =	sand.u32 $0x4000, s31;
	s1 =	sadd.s32 s1, s30  }
0xc1: {  	s0 =	sor.u32 s3, s0;
	s1 =	sshll.u32 s1, $0x11  }
0xc2: {  	s0 =	sor.u32 s1, s0  }
0xc3: {  	s0 =	sadd.s32 $0x8F2B, s0  }
0xc4: {  	[sflag:s0] =	ssyncadd.remote.s32 $0x1  }
0xc5: {  	_ =	sfence.sel $0xFFFF  }
0xc6: {  	[dreg:$0x0] =	wrdreg $0xFFFFFFFF;
	(pc) =	sbr.abs _section_cstart, $3  }
0xc7: {  	[dreg:$0x1] =	wrdreg $0xFFFFFFFF  }
0xc8: {  	_ =	task.clear_ibuf [dreg:s8], $0x2FFFF;
	_ =	strace $0x9FFFFFFF  }
0xc9: {  	(tm) =	ssettm $0x7FFFFFFF  }
tec
execute0_lowered:
.L_overlay_start_1:
0x0: {  	(tag) =	ssettag $0x1  }
0x1: {  	s0 =	rddreg [dreg:$0x0]  }
0x2: {  	s7 =	rddreg [dreg:$0x2];
	s3 =	simm.s32 $0x0  }
0x3: {  	[smem:$0x7FF] =	sst s3;
	s1 =	sadd.s32 $0x10, s7  }
0x4: {  	s15 =	sadd.s32 $0x20, s7;
	_ =	strace $0x80000047;
	[dreg:$0x4] =	wrdreg s1  }
0x5: {  	s16 =	sadd.s32 $0x30, s7;
	[dreg:$0x5] =	wrdreg s15  }
0x6: {  	s17 =	sadd.s32 $0x40, s7;
	[dreg:$0x6] =	wrdreg s16  }
0x7: {  	s18 =	sadd.s32 $0x50, s7;
	[dreg:$0x7] =	wrdreg s17  }
0x8: {  	s19 =	sadd.s32 $0x60, s7;
	[dreg:$0x8] =	wrdreg s18  }
0x9: {  	s20 =	sadd.s32 $0x70, s7;
	[dreg:$0x9] =	wrdreg s19  }
0xa: {  	s2 =	srdreg.scid;
	s21 =	sadd.s32 $0x100, s7;
	[dreg:$0xa] =	wrdreg s20  }
0xb: {  	s4 =	stileid.u32;
	s22 =	sadd.s32 $0x110, s7;
	[dreg:$0xb] =	wrdreg s21  }
0xc: {  	s2 =	sand.u32 $0x1, s2;
	s23 =	sadd.s32 $0x120, s7;
	[dreg:$0xc] =	wrdreg s22  }
0xd: {  	s4 =	sshll.u32 s4, $0x1;
	s24 =	sadd.s32 $0x130, s7;
	[dreg:$0xd] =	wrdreg s23  }
0xe: {  	s25 =	sadd.s32 $0x140, s7;
	s28 =	sadd.s32 $0x150, s7;
	[dreg:$0xe] =	wrdreg s24  }
0xf: {  	s29 =	sadd.s32 $0x160, s7;
	s4 =	sor.u32 s2, s4;
	[dreg:$0xf] =	wrdreg s25  }
0x10: {  	s2 =	ssub.s32 $0x2, s2;
	[dreg:$0x10] =	wrdreg s28;
	s8 =	smul.u32 $0xC00, s4  }
0x11: {  	s30 =	sadd.s32 $0x170, s7;
	[dreg:$0x11] =	wrdreg s29;
	s26 =	sshrl.u32 s2, $0x1  }
0x12: {  	[dreg:$0x12] =	wrdreg s30;
	s2 =	ssub.s32 s2, s26;
	s4 =	sshrl.u32 s8, $0x3  }
0x13: {  	s31 =	smax.u32 s2, $0x1;
	[dreg:$0x13] =	wrdreg s8;
	s0 =	sadd.s32 s4, s0  }
0x14: {  	[smem:$0x7FD] =	sst s31;
	s0 =	sadd.s32 $0xA00, s0  }
0x15: {  	s2 =	simm.s32 $0x0;
	[smem:$0x7FC] =	sst s0  }
.LBB2_1:
0x16: {  	[smem:$0x7FB] =	sst s2  }
0x17: {  	s0 =	rddreg [dreg:$0x1];
	s17 =	simm.s32 $0x2  }
0x18: {  	[tilespmem:s3], [sflag:$0x2] =	stream.linear.gather [hbm4b:s0+s3], $0x1800, $0x38;
	[tilespmem:$0x2400] =	vst v63  }
0x19: {  	_ =	swait.ge [sflag:s17], $0x1800  }
0x1a: {  	s18 =	sld [smem:$0x7FC]  }
0x1b: {  	[sflag:s17] =	ssyncset.done $0x0  }
0x1c: {  	s1 =	simm.s32 $0x1800;
	[sflag:s17] =	ssyncadd.s32 $0xFFFFE800  }
0x1d: {  	[tilespmem:s1], [sflag:$0x2] =	stream.linear.gather [hbm4b:s18+s3], $0xC00, $0x38;
	[tilespmem:$0x2400] =	vst v63  }
0x1e: {  	_ =	swait.ge [sflag:s17], $0xC00  }
0x1f: {  	s19 =	sand.u32 $0x70, s3;
	s20 =	sand.u32 $0xF80, s3;
	[sflag:s17] =	ssyncset.done $0x0  }
0x20: {  	s21 =	sor.u32 s19, s20;
	[sflag:s17] =	ssyncadd.s32 $0xFFFFF400  }
0x21: {  	v0 =	vld [tilespmem:s21+$0x1800];
	_ =	sdelay $0x4  }
0x22: {  	(v2sf) =	vpush v0, $0x7  }
0x23: {  	(v2sf) =	vpush v0, $0x0  }
0x24: {  	(v2sf) =	vpush v0, $0x1;
	_ =	sdelay $0x1  }
0x25: {  	(v2sf) =	vpush v0, $0x5;
	_ =	sdelay $0x3  }
0x26: {  	(v2sf) =	vpush v0, $0x2;
	_ =	sdelay $0x2  }
0x27: {  	s1 =	sadd.s32 s8, s20  }
0x28: {  	s0 =	sor.u32 s19, s1  }
0x29: {  	s1 =	sshll.u32 s0, $0x5  }
0x2a: {  	s12 =	sand.u32 $0x7FFE00, s1  }
0x2b: {  	s6 =	rddreg [dreg:$0x4];
	s23 =	sadd.s32 s7, s12;
	s0 =	spop (v2sf);
	(v2sf) =	vpush v0, $0x6  }
0x2c: {  	s28 =	sadd.s32 s12, s6;
	s5 =	sadd.s32 $0x80, s23;
	s22 =	spop (v2sf)  }
0x2d: {  	(v2sf) =	vpush v0, $0x3;
	s4 =	sshll.u32 s22, $0x8;
	s1 =	sshll.u32 s22, $0x7;
	s24 =	spop (v2sf)  }
0x2e: {  	s1 =	sand.u32 $0x380, s1;
	s4 =	sand.u32 $0xFFFFF800, s4;
	s25 =	sshll.u32 s24, $0x8  }
0x2f: {  	s29 =	spop (v2sf);
	s1 =	sor.u32 s1, s4;
	s4 =	sshll.u32 s24, $0x7  }
0x30: {  	[hbm4b:s23+s3] =	stream.linear.scatter [tilespmem:s1], [sflag:$0x1], $0x80, $0x38;
	[tilespmem:$0x2400] =	vst v63  }
0x31: {  	s2 =	sand.u32 $0xFFFFF800, s25;
	s1 =	sor.u32 $0x400, s1;
	s4 =	sand.u32 $0x380, s4  }
0x32: {  	(v2sf) =	vpush v0, $0x4;
	[hbm4b:s5+s3] =	stream.linear.scatter [tilespmem:s1], [sflag:$0x1], $0x80, $0x38;
	[tilespmem:$0x2400] =	vst v63  }
0x33: {  	s30 =	sadd.s32 $0x80, s28;
	s31 =	spop (v2sf);
	s2 =	sor.u32 s4, s2  }
0x34: {  	[hbm4b:s28+s3] =	stream.linear.scatter [tilespmem:s2], [sflag:$0x1], $0x80, $0x38;
	[tilespmem:$0x2400] =	vst v63  }
0x35: {  	s9 =	sshll.u32 s31, $0x8;
	s10 =	sshll.u32 s31, $0x7;
	s2 =	sor.u32 $0x400, s2  }
0x36: {  	[hbm4b:s30+s3] =	stream.linear.scatter [tilespmem:s2], [sflag:$0x1], $0x80, $0x38;
	[tilespmem:$0x2400] =	vst v63  }
0x37: {  	s26 =	rddreg [dreg:$0x5];
	s4 =	sand.u32 $0x380, s10;
	s2 =	sand.u32 $0xFFFFF800, s9  }
0x38: {  	s1 =	sadd.s32 s12, s26;
	s2 =	sor.u32 s4, s2  }
0x39: {  	[hbm4b:s1+s3] =	stream.linear.scatter [tilespmem:s2], [sflag:$0x1], $0x80, $0x38;
	[tilespmem:$0x2400] =	vst v63  }
0x3a: {  	s1 =	sadd.s32 $0x80, s1;
	s2 =	sor.u32 $0x400, s2;
	s11 =	spop (v2sf)  }
0x3b: {  	[hbm4b:s1+s3] =	stream.linear.scatter [tilespmem:s2], [sflag:$0x1], $0x80, $0x38;
	[tilespmem:$0x2400] =	vst v63  }
0x3c: {  	s13 =	rddreg [dreg:$0x6];
	s14 =	spop (v2sf)  }
0x3d: {  	s16 =	rddreg [dreg:$0x7];
	s15 =	sshll.u32 s14, $0x8;
	s2 =	sshll.u32 s14, $0x7  }
0x3e: {  	s19 =	rddreg [dreg:$0x8];
	s5 =	sand.u32 $0xFFFFF800, s15;
	s2 =	sand.u32 $0x380, s2  }
0x3f: {  	s22 =	rddreg [dreg:$0x9];
	s1 =	sadd.s32 s12, s13;
	s2 =	sor.u32 s2, s5  }
0x40: {  	[hbm4b:s1+s3] =	stream.linear.scatter [tilespmem:s2], [sflag:$0x1], $0x80, $0x38;
	[tilespmem:$0x2400] =	vst v63  }
0x41: {  	s17 =	spop (v2sf);
	s1 =	sadd.s32 $0x80, s1;
	s2 =	sor.u32 $0x400, s2  }
0x42: {  	(v2sf) =	vpush v0, $0xA;
	[hbm4b:s1+s3] =	stream.linear.scatter [tilespmem:s2], [sflag:$0x1], $0x80, $0x38;
	[tilespmem:$0x2400] =	vst v63  }
0x43: {  	s20 =	sshll.u32 s29, $0x8;
	s18 =	sshll.u32 s17, $0x8;
	s2 =	sshll.u32 s17, $0x7  }
0x44: {  	s21 =	sshll.u32 s29, $0x7;
	(v2sf) =	vpush v0, $0x9;
	s5 =	sand.u32 $0xFFFFF800, s18;
	s2 =	sand.u32 $0x380, s2  }
0x45: {  	s24 =	sadd.s32 s12, s22;
	s1 =	sadd.s32 s12, s16;
	s2 =	sor.u32 s2, s5  }
0x46: {  	(v2sf) =	vpush v0, $0x8;
	[hbm4b:s1+s3] =	stream.linear.scatter [tilespmem:s2], [sflag:$0x1], $0x80, $0x38;
	[tilespmem:$0x2400] =	vst v63  }
0x47: {  	s25 =	sshll.u32 s0, $0x8;
	s1 =	sadd.s32 $0x80, s1;
	s2 =	sor.u32 $0x400, s2  }
0x48: {  	[hbm4b:s1+s3] =	stream.linear.scatter [tilespmem:s2], [sflag:$0x1], $0x80, $0x38;
	[tilespmem:$0x2400] =	vst v63  }
0x49: {  	s0 =	sshll.u32 s0, $0x7;
	s1 =	sand.u32 $0xFFFFF800, s20;
	s2 =	sand.u32 $0x380, s21  }
0x4a: {  	s23 =	sadd.s32 s12, s19;
	s26 =	sshll.u32 s11, $0x8;
	s1 =	sor.u32 s2, s1  }
0x4b: {  	[hbm4b:s23+s3] =	stream.linear.scatter [tilespmem:s1], [sflag:$0x1], $0x80, $0x38;
	[tilespmem:$0x2400] =	vst v63  }
0x4c: {  	s4 =	sshll.u32 s11, $0x7;
	s2 =	sadd.s32 $0x80, s23;
	s1 =	sor.u32 $0x400, s1  }
0x4d: {  	[hbm4b:s2+s3] =	stream.linear.scatter [tilespmem:s1], [sflag:$0x1], $0x80, $0x38;
	[tilespmem:$0x2400] =	vst v63  }
0x4e: {  	s0 =	sand.u32 $0x380, s0;
	s4 =	sand.u32 $0x380, s4;
	s2 =	sand.u32 $0xFFFFF800, s26  }
0x4f: {  	s28 =	rddreg [dreg:$0xa];
	s5 =	sadd.s32 $0x80, s24;
	s2 =	sor.u32 s4, s2  }
0x50: {  	[hbm4b:s24+s3] =	stream.linear.scatter [tilespmem:s2], [sflag:$0x1], $0x80, $0x38;
	[tilespmem:$0x2400] =	vst v63  }
0x51: {  	s29 =	spop (v2sf);
	s1 =	sand.u32 $0xFFFFF800, s25;
	s2 =	sor.u32 $0x400, s2  }
0x52: {  	[hbm4b:s5+s3] =	stream.linear.scatter [tilespmem:s2], [sflag:$0x1], $0x80, $0x38;
	[tilespmem:$0x2400] =	vst v63  }
0x53: {  	s30 =	sadd.s32 s12, s28;
	s31 =	spop (v2sf);
	s0 =	sor.u32 s0, s1  }
0x54: {  	[hbm4b:s30+s3] =	stream.linear.scatter [tilespmem:s0], [sflag:$0x1], $0x80, $0x38;
	[tilespmem:$0x2400] =	vst v63  }
0x55: {  	s1 =	sadd.s32 $0x80, s30;
	s9 =	spop (v2sf);
	s0 =	sor.u32 $0x400, s0  }
0x56: {  	(v2sf) =	vpush v0, $0xB;
	[hbm4b:s1+s3] =	stream.linear.scatter [tilespmem:s0], [sflag:$0x1], $0x80, $0x38;
	[tilespmem:$0x2400] =	vst v63  }
0x57: {  	s10 =	sshll.u32 s9, $0x8;
	s1 =	sshll.u32 s9, $0x7  }
0x58: {  	s6 =	rddreg [dreg:$0xb];
	s5 =	sand.u32 $0xFFFFF800, s10;
	s1 =	sand.u32 $0x380, s1  }
0x59: {  	s13 =	sshll.u32 s31, $0x8;
	s0 =	sadd.s32 s12, s6;
	s1 =	sor.u32 s1, s5  }
0x5a: {  	[hbm4b:s0+s3] =	stream.linear.scatter [tilespmem:s1], [sflag:$0x1], $0x80, $0x38;
	[tilespmem:$0x2400] =	vst v63  }
0x5b: {  	s4 =	sshll.u32 s31, $0x7;
	s0 =	sadd.s32 $0x80, s0;
	s1 =	sor.u32 $0x400, s1  }
0x5c: {  	(v2sf) =	vpush v0, $0xC;
	[hbm4b:s0+s3] =	stream.linear.scatter [tilespmem:s1], [sflag:$0x1], $0x80, $0x38;
	[tilespmem:$0x2400] =	vst v63  }
0x5d: {  	s11 =	rddreg [dreg:$0xc];
	s4 =	sand.u32 $0x380, s4;
	s1 =	sand.u32 $0xFFFFF800, s13  }
0x5e: {  	s15 =	sshll.u32 s29, $0x8;
	s0 =	sadd.s32 s12, s11;
	s1 =	sor.u32 s4, s1  }
0x5f: {  	[hbm4b:s0+s3] =	stream.linear.scatter [tilespmem:s1], [sflag:$0x1], $0x80, $0x38;
	[tilespmem:$0x2400] =	vst v63  }
0x60: {  	s2 =	sshll.u32 s29, $0x7;
	s1 =	sor.u32 $0x400, s1;
	s0 =	sadd.s32 $0x80, s0  }
0x61: {  	[hbm4b:s0+s3] =	stream.linear.scatter [tilespmem:s1], [sflag:$0x1], $0x80, $0x38;
	[tilespmem:$0x2400] =	vst v63  }
0x62: {  	s14 =	rddreg [dreg:$0xd];
	(v2sf) =	vpush v0, $0xD;
	s2 =	sand.u32 $0x380, s2;
	s1 =	sand.u32 $0xFFFFF800, s15  }
0x63: {  	s0 =	sadd.s32 s12, s14;
	s1 =	sor.u32 s2, s1  }
0x64: {  	[hbm4b:s0+s3] =	stream.linear.scatter [tilespmem:s1], [sflag:$0x1], $0x80, $0x38;
	[tilespmem:$0x2400] =	vst v63  }
0x65: {  	s17 =	spop (v2sf);
	s0 =	sadd.s32 $0x80, s0;
	s1 =	sor.u32 $0x400, s1  }
0x66: {  	[hbm4b:s0+s3] =	stream.linear.scatter [tilespmem:s1], [sflag:$0x1], $0x80, $0x38;
	[tilespmem:$0x2400] =	vst v63  }
0x67: {  	s18 =	sshll.u32 s17, $0x8;
	s1 =	sshll.u32 s17, $0x7  }
0x68: {  	s16 =	rddreg [dreg:$0xe];
	(v2sf) =	vpush v0, $0xE;
	s2 =	sand.u32 $0xFFFFF800, s18;
	s1 =	sand.u32 $0x380, s1  }
0x69: {  	s0 =	sadd.s32 s12, s16;
	s1 =	sor.u32 s1, s2  }
0x6a: {  	[hbm4b:s0+s3] =	stream.linear.scatter [tilespmem:s1], [sflag:$0x1], $0x80, $0x38;
	[tilespmem:$0x2400] =	vst v63  }
0x6b: {  	s20 =	spop (v2sf);
	s0 =	sadd.s32 $0x80, s0;
	s1 =	sor.u32 $0x400, s1  }
0x6c: {  	[hbm4b:s0+s3] =	stream.linear.scatter [tilespmem:s1], [sflag:$0x1], $0x80, $0x38;
	[tilespmem:$0x2400] =	vst v63  }
0x6d: {  	s21 =	sshll.u32 s20, $0x8;
	s1 =	sshll.u32 s20, $0x7  }
0x6e: {  	s19 =	rddreg [dreg:$0xf];
	(v2sf) =	vpush v0, $0xF;
	s2 =	sand.u32 $0xFFFFF800, s21;
	s1 =	sand.u32 $0x380, s1  }
0x6f: {  	s0 =	sadd.s32 s12, s19;
	s1 =	sor.u32 s1, s2  }
0x70: {  	[hbm4b:s0+s3] =	stream.linear.scatter [tilespmem:s1], [sflag:$0x1], $0x80, $0x38;
	[tilespmem:$0x2400] =	vst v63  }
0x71: {  	s23 =	spop (v2sf);
	s0 =	sadd.s32 $0x80, s0;
	s1 =	sor.u32 $0x400, s1  }
0x72: {  	[hbm4b:s0+s3] =	stream.linear.scatter [tilespmem:s1], [sflag:$0x1], $0x80, $0x38;
	[tilespmem:$0x2400] =	vst v63  }
0x73: {  	s24 =	sshll.u32 s23, $0x8;
	s1 =	sshll.u32 s23, $0x7  }
0x74: {  	s22 =	rddreg [dreg:$0x10];
	s2 =	sand.u32 $0xFFFFF800, s24;
	s1 =	sand.u32 $0x380, s1  }
0x75: {  	s0 =	sadd.s32 s12, s22;
	s1 =	sor.u32 s1, s2  }
0x76: {  	[hbm4b:s0+s3] =	stream.linear.scatter [tilespmem:s1], [sflag:$0x1], $0x80, $0x38;
	[tilespmem:$0x2400] =	vst v63  }
0x77: {  	s26 =	spop (v2sf);
	s0 =	sadd.s32 $0x80, s0;
	s1 =	sor.u32 $0x400, s1  }
0x78: {  	[hbm4b:s0+s3] =	stream.linear.scatter [tilespmem:s1], [sflag:$0x1], $0x80, $0x38;
	[tilespmem:$0x2400] =	vst v63  }
0x79: {  	s28 =	sshll.u32 s26, $0x7;
	s1 =	sshll.u32 s26, $0x8  }
0x7a: {  	s25 =	rddreg [dreg:$0x11];
	s2 =	sand.u32 $0x380, s28;
	s1 =	sand.u32 $0xFFFFF800, s1  }
0x7b: {  	s0 =	sadd.s32 s12, s25;
	s1 =	sor.u32 s2, s1  }
0x7c: {  	[hbm4b:s0+s3] =	stream.linear.scatter [tilespmem:s1], [sflag:$0x1], $0x80, $0x38;
	[tilespmem:$0x2400] =	vst v63  }
0x7d: {  	s29 =	spop (v2sf);
	s1 =	sor.u32 $0x400, s1;
	s0 =	sadd.s32 $0x80, s0  }
0x7e: {  	[hbm4b:s0+s3] =	stream.linear.scatter [tilespmem:s1], [sflag:$0x1], $0x80, $0x38;
	[tilespmem:$0x2400] =	vst v63  }
0x7f: {  	s31 =	sshll.u32 s29, $0x8;
	s0 =	sshll.u32 s29, $0x7  }
0x80: {  	s30 =	rddreg [dreg:$0x12];
	s2 =	sand.u32 $0xFFFFF800, s31;
	s0 =	sand.u32 $0x380, s0  }
0x81: {  	p1 =	por $0x1, $0x1;
	s1 =	sadd.s32 s12, s30;
	s0 =	sor.u32 s0, s2  }
0x82: {  	[hbm4b:s1+s3] =	stream.linear.scatter [tilespmem:s0], [sflag:$0x1], $0x80, $0x38;
	[tilespmem:$0x2400] =	vst v63  }
0x83: {  	s16 =	simm.s32 @!p1 $0x1;
	s0 =	sor.u32 $0x400, s0;
	s1 =	sadd.s32 $0x80, s1  }
0x84: {  	[hbm4b:s1+s3] =	stream.linear.scatter [tilespmem:s0], [sflag:$0x1], $0x80, $0x38;
	[tilespmem:$0x2400] =	vst v63  }
0x85: {  	_ =	swait.ge @!p1 [sflag:s16], $0x100  }
0x86: {  	[sflag:s16] =	ssyncset.done @!p1 $0x0  }
0x87: {  	[sflag:s16] =	ssyncadd.s32 @!p1 $0xFFFFFF00  }
0x88: {  	_ =	swait.ge @!p1 [sflag:s16], $0x100  }
0x89: {  	s13 =	simm.s32 $0x0;
	s0 =	simm.s32 $0x1;
	[sflag:s16] =	ssyncset.done @!p1 $0x0  }
.LBB2_2:
0x8a: {  	s1 =	smov.u32 s0  }
0x8b: {  	s2 =	sadd.s32 $0x1, s0;
	[dreg:$0x15] =	wrdreg s1  }
0x8c: {  	[sflag:s16] =	ssyncadd.s32 @!p1 $0xFFFFFF00;
	[dreg:$0x14] =	wrdreg s2  }
0x8d: {  	_ =	swait.ge @!p1 [sflag:s16], $0x100  }
0x8e: {  	[sflag:s16] =	ssyncset.done @!p1 $0x0  }
0x8f: {  	[sflag:s16] =	ssyncadd.s32 @!p1 $0xFFFFFF00  }
0x90: {  	_ =	swait.ge @!p1 [sflag:s16], $0x100  }
0x91: {  	[sflag:s16] =	ssyncset.done @!p1 $0x0  }
0x92: {  	[sflag:s16] =	ssyncadd.s32 @!p1 $0xFFFFFF00  }
0x93: {  	_ =	swait.ge @!p1 [sflag:s16], $0x100  }
0x94: {  	[sflag:s16] =	ssyncset.done @!p1 $0x0  }
0x95: {  	[sflag:s16] =	ssyncadd.s32 @!p1 $0xFFFFFF00  }
0x96: {  	_ =	swait.ge @!p1 [sflag:s16], $0x100  }
0x97: {  	[sflag:s16] =	ssyncset.done @!p1 $0x0  }
0x98: {  	[sflag:s16] =	ssyncadd.s32 @!p1 $0xFFFFFF00  }
0x99: {  	_ =	swait.ge @!p1 [sflag:s16], $0x100  }
0x9a: {  	[sflag:s16] =	ssyncset.done @!p1 $0x0  }
0x9b: {  	[sflag:s16] =	ssyncadd.s32 @!p1 $0xFFFFFF00  }
0x9c: {  	_ =	swait.ge @!p1 [sflag:s16], $0x100  }
0x9d: {  	[sflag:s16] =	ssyncset.done @!p1 $0x0  }
0x9e: {  	[sflag:s16] =	ssyncadd.s32 @!p1 $0xFFFFFF00  }
0x9f: {  	_ =	swait.ge @!p1 [sflag:s16], $0x100  }
0xa0: {  	[sflag:s16] =	ssyncset.done @!p1 $0x0  }
0xa1: {  	[sflag:s16] =	ssyncadd.s32 @!p1 $0xFFFFFF00  }
0xa2: {  	_ =	swait.ge @!p1 [sflag:s16], $0x100  }
0xa3: {  	[sflag:s16] =	ssyncset.done @!p1 $0x0  }
0xa4: {  	[sflag:s16] =	ssyncadd.s32 @!p1 $0xFFFFFF00  }
0xa5: {  	_ =	swait.ge @!p1 [sflag:s16], $0x100  }
0xa6: {  	[sflag:s16] =	ssyncset.done @!p1 $0x0  }
0xa7: {  	[sflag:s16] =	ssyncadd.s32 @!p1 $0xFFFFFF00  }
0xa8: {  	s13 =	sadd.s32 $0x10, s13;
	p0 =	sne.s32 s2, $0xC0;
	_ =	swait.ge @!p1 [sflag:s16], $0x100  }
0xa9: {  	s4 =	sand.u32 $0x70, s13;
	s2 =	sand.u32 $0xF80, s13;
	[sflag:s16] =	ssyncset.done @!p1 $0x0  }
0xaa: {  	s5 =	sor.u32 s4, s2;
	s2 =	sadd.s32 s8, s2;
	[sflag:s16] =	ssyncadd.s32 @!p1 $0xFFFFFF00  }
0xab: {  	s0 =	sor.u32 s4, s2;
	_ =	swait.ge @!p1 [sflag:s16], $0x100  }
0xac: {  	s0 =	sshll.u32 s0, $0x5;
	[sflag:s16] =	ssyncset.done @!p1 $0x0  }
0xad: {  	s15 =	sand.u32 $0x7FFE00, s0;
	[sflag:s16] =	ssyncadd.s32 @!p1 $0xFFFFFF00  }
0xae: {  	s29 =	sadd.s32 s7, s15;
	_ =	swait.ge @!p1 [sflag:s16], $0x100  }
0xaf: {  	s6 =	sadd.s32 $0x80, s29;
	[sflag:s16] =	ssyncset.done @!p1 $0x0  }
0xb0: {  	[smem:$0x7F9] =	sst s6;
	[sflag:s16] =	ssyncadd.s32 @!p1 $0xFFFFFF00  }
0xb1: {  	_ =	swait.ge @!p1 [sflag:s16], $0x100  }
0xb2: {  	[sflag:s16] =	ssyncset.done @!p1 $0x0  }
0xb3: {  	[sflag:s16] =	ssyncadd.s32 @!p1 $0xFFFFFF00  }
0xb4: {  	_ =	swait.ge @!p1 [sflag:s16], $0x100  }
0xb5: {  	s7 =	rddreg [dreg:$0xf]  }
0xb6: {  	[sflag:s16] =	ssyncset.done @!p1 $0x0;
	s8 =	rddreg [dreg:$0xb]  }
0xb7: {  	s10 =	rddreg [dreg:$0x5];
	[sflag:s16] =	ssyncadd.s32 @!p1 $0xFFFFFF00  }
0xb8: {  	s11 =	rddreg [dreg:$0xd];
	v0 =	vld [tilespmem:s5+$0x1800]  }
0xb9: {  	s6 =	rddreg [dreg:$0x6]  }
0xba: {  	s12 =	rddreg [dreg:$0x7]  }
0xbb: {  	s14 =	rddreg [dreg:$0x8]  }
0xbc: {  	s19 =	rddreg [dreg:$0xe]  }
0xbd: {  	s20 =	rddreg [dreg:$0x4];
	(v2sf) =	vpush v0, $0x7  }
0xbe: {  	s21 =	rddreg [dreg:$0x9];
	(v2sf) =	vpush v0, $0x0  }
0xbf: {  	s22 =	rddreg [dreg:$0xc];
	(v2sf) =	vpush v0, $0x1  }
0xc0: {  	s23 =	rddreg [dreg:$0x10];
	s4 =	sadd.s32 s15, s7  }
0xc1: {  	s9 =	sadd.s32 s15, s8;
	[dreg:$0x17] =	wrdreg s4;
	(v2sf) =	vpush v0, $0x5  }
0xc2: {  	s16 =	sadd.s32 s15, s11;
	[dreg:$0x1d] =	wrdreg s9;
	(v2sf) =	vpush v0, $0x2  }
0xc3: {  	[dreg:$0x1b] =	wrdreg s16;
	(v2sf) =	vpush v0, $0x6  }
0xc4: {  	s0 =	sadd.s32 s15, s19;
	s1 =	sadd.s32 $0x80, s9;
	s9 =	rddreg [dreg:$0x11];
	(v2sf) =	vpush v0, $0x3  }
0xc5: {  	s31 =	sadd.s32 s15, s12;
	s2 =	sadd.s32 s15, s23;
	[dreg:$0x1f] =	wrdreg s0  }
0xc6: {  	s28 =	sadd.s32 s15, s14;
	s30 =	sadd.s32 s15, s21;
	[dreg:$0x1c] =	wrdreg s2  }
0xc7: {  	s7 =	sadd.s32 s15, s6;
	s17 =	sadd.s32 $0x80, s4;
	[dreg:$0x1a] =	wrdreg s1  }
0xc8: {  	s18 =	sadd.s32 $0x80, s16;
	s0 =	sadd.s32 $0x80, s0;
	[dreg:$0x16] =	wrdreg s17;
	(v2sf) =	vpush v0, $0x4  }
0xc9: {  	s6 =	sadd.s32 $0x80, s7;
	s16 =	sadd.s32 s15, s22;
	[dreg:$0x19] =	wrdreg s18  }
0xca: {  	s1 =	sadd.s32 s15, s10;
	[dreg:$0x1e] =	wrdreg s0;
	s24 =	sadd.s32 s15, s9;
	(v2sf) =	vpush v0, $0xA  }
0xcb: {  	s9 =	sadd.s32 $0x80, s28;
	s5 =	sadd.s32 $0x80, s1;
	[dreg:$0x18] =	wrdreg s24;
	(v2sf) =	vpush v0, $0x9  }
0xcc: {  	[smem:$0x7FA] =	sst s5;
	s5 =	sadd.s32 s15, s20;
	s25 =	spop (v2sf)  }
0xcd: {  	s0 =	sadd.s32 $0x80, s5;
	s10 =	sshll.u32 s25, $0x8;
	s26 =	spop (v2sf)  }
0xce: {  	s2 =	sshll.u32 s25, $0x7;
	s17 =	sshll.u32 s26, $0x8;
	s11 =	spop (v2sf)  }
0xcf: {  	s8 =	sshll.u32 s26, $0x7;
	s10 =	sand.u32 $0xFFFFF800, s10;
	s2 =	sand.u32 $0x380, s2  }
0xd0: {  	s19 =	sshll.u32 s11, $0x8;
	s21 =	spop (v2sf);
	s8 =	sand.u32 $0x380, s8  }
0xd1: {  	s11 =	sshll.u32 s11, $0x7;
	s2 =	sor.u32 s2, s10;
	s12 =	spop (v2sf)  }
0xd2: {  	s24 =	sand.u32 $0x380, s11;
	s11 =	sadd.s32 $0x80, s31;
	s20 =	spop (v2sf)  }
0xd3: {  	s19 =	sand.u32 $0xFFFFF800, s19;
	s18 =	sshll.u32 s12, $0x8;
	s14 =	spop (v2sf)  }
0xd4: {  	s12 =	sshll.u32 s12, $0x7;
	s22 =	sshll.u32 s14, $0x8;
	s14 =	sshll.u32 s14, $0x7  }
0xd5: {  	s19 =	sor.u32 s24, s19;
	s4 =	sand.u32 $0xFFFFF800, s22;
	s14 =	sand.u32 $0x380, s14  }
0xd6: {  	s25 =	sand.u32 $0x380, s12;
	s14 =	sor.u32 s14, s4;
	s4 =	sand.u32 $0xFFFFF800, s17  }
0xd7: {  	s23 =	spop (v2sf);
	s17 =	rddreg [dreg:$0xa];
	s4 =	sor.u32 s8, s4  }
0xd8: {  	[hbm4b:s29+s3] =	stream.linear.scatter [tilespmem:s4], [sflag:$0x1], $0x80, $0x38;
	[tilespmem:$0x2400] =	vst v63  }
0xd9: {  	s22 =	sshll.u32 s23, $0x8;
	s12 =	spop (v2sf);
	s29 =	sld [smem:$0x7F9]  }
0xda: {  	s26 =	spop (v2sf);
	s8 =	sshll.u32 s23, $0x7;
	s23 =	sshll.u32 s21, $0x8  }
0xdb: {  	(v2sf) =	vpush v0, $0x8;
	s21 =	sshll.u32 s21, $0x7;
	s4 =	sor.u32 $0x400, s4;
	s24 =	sand.u32 $0xFFFFF800, s23  }
0xdc: {  	[hbm4b:s29+s3] =	stream.linear.scatter [tilespmem:s4], [sflag:$0x1], $0x80, $0x38;
	[tilespmem:$0x2400] =	vst v63  }
0xdd: {  	s21 =	sand.u32 $0x380, s21;
	s8 =	sand.u32 $0x380, s8;
	s4 =	sor.u32 $0x400, s19  }
0xde: {  	s29 =	sand.u32 $0xFFFFF800, s18;
	s18 =	sor.u32 s21, s24;
	s21 =	sand.u32 $0xFFFFF800, s22  }
0xdf: {  	s23 =	sor.u32 s25, s29;
	s25 =	sshll.u32 s26, $0x8;
	s29 =	sld [smem:$0x7FA]  }
0xe0: {  	[hbm4b:s5+s3] =	stream.linear.scatter [tilespmem:s19], [sflag:$0x1], $0x80, $0x38;
	[tilespmem:$0x2400] =	vst v63  }
0xe1: {  	s22 =	sor.u32 s8, s21;
	s5 =	sshll.u32 s20, $0x7;
	s24 =	sor.u32 $0x400, s23  }
0xe2: {  	[hbm4b:s0+s3] =	stream.linear.scatter [tilespmem:s4], [sflag:$0x1], $0x80, $0x38;
	[tilespmem:$0x2400] =	vst v63  }
0xe3: {  	s19 =	rddreg [dreg:$0x1a];
	s5 =	sand.u32 $0x380, s5;
	s4 =	sshll.u32 s20, $0x8  }
0xe4: {  	s0 =	sshll.u32 s26, $0x7;
	s20 =	sor.u32 $0x400, s14;
	s4 =	sand.u32 $0xFFFFF800, s4  }
0xe5: {  	(v2sf) =	vpush v0, $0xB;
	[hbm4b:s1+s3] =	stream.linear.scatter [tilespmem:s23], [sflag:$0x1], $0x80, $0x38;
	[tilespmem:$0x2400] =	vst v63  }
0xe6: {  	s0 =	sand.u32 $0x380, s0;
	s1 =	sand.u32 $0xFFFFF800, s25;
	s23 =	sshll.u32 s12, $0x8  }
0xe7: {  	[hbm4b:s29+s3] =	stream.linear.scatter [tilespmem:s24], [sflag:$0x1], $0x80, $0x38;
	[tilespmem:$0x2400] =	vst v63  }
0xe8: {  	s25 =	sadd.s32 $0x80, s30;
	s4 =	sor.u32 s5, s4;
	s24 =	sshll.u32 s12, $0x7  }
0xe9: {  	(v2sf) =	vpush v0, $0xC;
	[hbm4b:s7+s3] =	stream.linear.scatter [tilespmem:s14], [sflag:$0x1], $0x80, $0x38;
	[tilespmem:$0x2400] =	vst v63  }
0xea: {  	s8 =	sand.u32 $0x380, s24;
	s7 =	sand.u32 $0xFFFFF800, s23;
	s26 =	spop (v2sf)  }
0xeb: {  	[hbm4b:s6+s3] =	stream.linear.scatter [tilespmem:s20], [sflag:$0x1], $0x80, $0x38;
	[tilespmem:$0x2400] =	vst v63  }
0xec: {  	s0 =	sor.u32 s0, s1;
	s29 =	sshll.u32 s26, $0x8;
	s7 =	sor.u32 s8, s7  }
0xed: {  	[hbm4b:s31+s3] =	stream.linear.scatter [tilespmem:s22], [sflag:$0x1], $0x80, $0x38;
	[tilespmem:$0x2400] =	vst v63  }
0xee: {  	s6 =	sor.u32 $0x400, s22;
	s5 =	sand.u32 $0xFFFFF800, s29;
	s31 =	sshll.u32 s26, $0x7  }
0xef: {  	(v2sf) =	vpush v0, $0xD;
	[hbm4b:s11+s3] =	stream.linear.scatter [tilespmem:s6], [sflag:$0x1], $0x80, $0x38;
	[tilespmem:$0x2400] =	vst v63  }
0xf0: {  	s8 =	sand.u32 $0x380, s31;
	s6 =	sadd.s32 s15, s17;
	s17 =	rddreg [dreg:$0x1d]  }
0xf1: {  	(v2sf) =	vpush v0, $0xE;
	[hbm4b:s28+s3] =	stream.linear.scatter [tilespmem:s18], [sflag:$0x1], $0x80, $0x38;
	[tilespmem:$0x2400] =	vst v63  }
0xf2: {  	s11 =	sor.u32 s8, s5;
	s8 =	rddreg [dreg:$0x13];
	s28 =	sor.u32 $0x400, s18  }
0xf3: {  	[hbm4b:s9+s3] =	stream.linear.scatter [tilespmem:s28], [sflag:$0x1], $0x80, $0x38;
	[tilespmem:$0x2400] =	vst v63  }
0xf4: {  	s22 =	sadd.s32 $0x80, s16;
	s9 =	spop (v2sf);
	s28 =	rddreg [dreg:$0x1b]  }
0xf5: {  	[hbm4b:s30+s3] =	stream.linear.scatter [tilespmem:s4], [sflag:$0x1], $0x80, $0x38;
	[tilespmem:$0x2400] =	vst v63  }
0xf6: {  	s10 =	sshll.u32 s9, $0x8;
	s12 =	sshll.u32 s9, $0x7;
	s4 =	sor.u32 $0x400, s4  }
0xf7: {  	[hbm4b:s25+s3] =	stream.linear.scatter [tilespmem:s4], [sflag:$0x1], $0x80, $0x38;
	[tilespmem:$0x2400] =	vst v63  }
0xf8: {  	s14 =	spop (v2sf);
	s29 =	sand.u32 $0xFFFFF800, s10;
	s30 =	rddreg [dreg:$0x19]  }
0xf9: {  	[hbm4b:s6+s3] =	stream.linear.scatter [tilespmem:s2], [sflag:$0x1], $0x80, $0x38;
	[tilespmem:$0x2400] =	vst v63  }
0xfa: {  	s10 =	rddreg [dreg:$0x1f];
	s4 =	sadd.s32 $0x80, s6;
	s2 =	sor.u32 $0x400, s2  }
0xfb: {  	[hbm4b:s4+s3] =	stream.linear.scatter [tilespmem:s2], [sflag:$0x1], $0x80, $0x38;
	[tilespmem:$0x2400] =	vst v63  }
0xfc: {  	s18 =	sshll.u32 s14, $0x8;
	s21 =	sshll.u32 s14, $0x7;
	s14 =	rddreg [dreg:$0x17]  }
0xfd: {  	[hbm4b:s17+s3] =	stream.linear.scatter [tilespmem:s11], [sflag:$0x1], $0x80, $0x38;
	[tilespmem:$0x2400] =	vst v63  }
0xfe: {  	s20 =	sand.u32 $0xFFFFF800, s18;
	s23 =	spop (v2sf);
	s2 =	sor.u32 $0x400, s11  }
0xff: {  	[hbm4b:s19+s3] =	stream.linear.scatter [tilespmem:s2], [sflag:$0x1], $0x80, $0x38;
	[tilespmem:$0x2400] =	vst v63  }
0x100: {  	s18 =	rddreg [dreg:$0x16];
	s24 =	sshll.u32 s23, $0x8;
	s26 =	spop (v2sf)  }
0x101: {  	(v2sf) =	vpush v0, $0xF;
	[hbm4b:s16+s3] =	stream.linear.scatter [tilespmem:s0], [sflag:$0x1], $0x80, $0x38;
	[tilespmem:$0x2400] =	vst v63  }
0x102: {  	s25 =	sshll.u32 s23, $0x7;
	s31 =	sshll.u32 s26, $0x7;
	s0 =	sor.u32 $0x400, s0  }
0x103: {  	[hbm4b:s22+s3] =	stream.linear.scatter [tilespmem:s0], [sflag:$0x1], $0x80, $0x38;
	[tilespmem:$0x2400] =	vst v63  }
0x104: {  	s6 =	sshll.u32 s26, $0x8;
	s26 =	rddreg [dreg:$0x12];
	s4 =	sand.u32 $0x380, s12  }
0x105: {  	[hbm4b:s28+s3] =	stream.linear.scatter [tilespmem:s7], [sflag:$0x1], $0x80, $0x38;
	[tilespmem:$0x2400] =	vst v63  }
0x106: {  	s23 =	sand.u32 $0x380, s31;
	s31 =	rddreg [dreg:$0x15];
	s7 =	sor.u32 $0x400, s7  }
0x107: {  	[hbm4b:s30+s3] =	stream.linear.scatter [tilespmem:s7], [sflag:$0x1], $0x80, $0x38;
	[tilespmem:$0x2400] =	vst v63  }
0x108: {  	s4 =	sor.u32 s4, s29;
	s11 =	rddreg [dreg:$0x1e]  }
0x109: {  	[hbm4b:s10+s3] =	stream.linear.scatter [tilespmem:s4], [sflag:$0x1], $0x80, $0x38;
	[tilespmem:$0x2400] =	vst v63  }
0x10a: {  	s2 =	sand.u32 $0x380, s21;
	s19 =	rddreg [dreg:$0x1c];
	s4 =	sor.u32 $0x400, s4  }
0x10b: {  	[hbm4b:s11+s3] =	stream.linear.scatter [tilespmem:s4], [sflag:$0x1], $0x80, $0x38;
	[tilespmem:$0x2400] =	vst v63  }
0x10c: {  	p1 =	slt.u32 s31, $0x2;
	s1 =	sor.u32 s2, s20;
	s20 =	sadd.s32 $0x80, s19  }
0x10d: {  	[hbm4b:s14+s3] =	stream.linear.scatter [tilespmem:s1], [sflag:$0x1], $0x80, $0x38;
	[tilespmem:$0x2400] =	vst v63  }
0x10e: {  	s16 =	sand.u32 $0x380, s25;
	s0 =	sand.u32 $0xFFFFF800, s24;
	s1 =	sor.u32 $0x400, s1  }
0x10f: {  	[hbm4b:s18+s3] =	stream.linear.scatter [tilespmem:s1], [sflag:$0x1], $0x80, $0x38;
	[tilespmem:$0x2400] =	vst v63  }
0x110: {  	s12 =	spop (v2sf);
	s22 =	sand.u32 $0xFFFFF800, s6;
	s0 =	sor.u32 s16, s0  }
0x111: {  	[hbm4b:s19+s3] =	stream.linear.scatter [tilespmem:s0], [sflag:$0x1], $0x80, $0x38;
	[tilespmem:$0x2400] =	vst v63  }
0x112: {  	s17 =	sshll.u32 s12, $0x8;
	s24 =	sor.u32 s23, s22;
	s0 =	sor.u32 $0x400, s0  }
0x113: {  	[hbm4b:s20+s3] =	stream.linear.scatter [tilespmem:s0], [sflag:$0x1], $0x80, $0x38;
	[tilespmem:$0x2400] =	vst v63  }
0x114: {  	s25 =	sshll.u32 s12, $0x7;
	s21 =	sand.u32 $0xFFFFF800, s17;
	s28 =	rddreg [dreg:$0x18]  }
0x115: {  	[hbm4b:s28+s3] =	stream.linear.scatter [tilespmem:s24], [sflag:$0x1], $0x80, $0x38;
	[tilespmem:$0x2400] =	vst v63  }
0x116: {  	s5 =	sadd.s32 $0x80, s28;
	s1 =	sand.u32 $0x380, s25;
	s0 =	sor.u32 $0x400, s24  }
0x117: {  	[hbm4b:s5+s3] =	stream.linear.scatter [tilespmem:s0], [sflag:$0x1], $0x80, $0x38;
	[tilespmem:$0x2400] =	vst v63  }
0x118: {  	s16 =	simm.s32 @!p1 $0x1;
	s30 =	sadd.s32 s15, s26;
	s29 =	sor.u32 s1, s21  }
0x119: {  	[hbm4b:s30+s3] =	stream.linear.scatter [tilespmem:s29], [sflag:$0x1], $0x80, $0x38;
	[tilespmem:$0x2400] =	vst v63  }
0x11a: {  	s7 =	rddreg [dreg:$0x2];
	s1 =	sadd.s32 $0x80, s30;
	s0 =	sor.u32 $0x400, s29  }
0x11b: {  	[hbm4b:s1+s3] =	stream.linear.scatter [tilespmem:s0], [sflag:$0x1], $0x80, $0x38;
	[tilespmem:$0x2400] =	vst v63  }
.Ltmp0:
0x11c: {  	s0 =	rddreg [dreg:$0x14];
	_ =	swait.ge @!p1 [sflag:s16], $0x100;
	(pc) =	sbr.rel @p0 .LBB2_2-.Ltmp0, $4  }
0x11d: {  	[sflag:s16] =	ssyncset.done @!p1 $0x0  }
0x11e: {  	[sflag:s16] =	ssyncadd.s32 @!p1 $0xFFFFFF00  }
0x11f: {  	_ =	swait.ge @!p1 [sflag:s16], $0x100  }
0x120: {  	[sflag:s16] =	ssyncset.done @!p1 $0x0  }
0x121: {  	[sflag:s16] =	ssyncadd.s32 @!p1 $0xFFFFFF00  }
0x122: {  	_ =	swait.ge @!p1 [sflag:s16], $0x100  }
0x123: {  	[sflag:s16] =	ssyncset.done @!p1 $0x0  }
0x124: {  	[sflag:s16] =	ssyncadd.s32 @!p1 $0xFFFFFF00  }
0x125: {  	_ =	swait.ge @!p1 [sflag:s16], $0x100  }
0x126: {  	[sflag:s16] =	ssyncset.done @!p1 $0x0  }
0x127: {  	[sflag:s16] =	ssyncadd.s32 @!p1 $0xFFFFFF00  }
0x128: {  	_ =	swait.ge @!p1 [sflag:s16], $0x100  }
0x129: {  	[sflag:s16] =	ssyncset.done @!p1 $0x0  }
0x12a: {  	[sflag:s16] =	ssyncadd.s32 @!p1 $0xFFFFFF00  }
0x12b: {  	_ =	swait.ge @!p1 [sflag:s16], $0x100  }
0x12c: {  	[sflag:s16] =	ssyncset.done @!p1 $0x0  }
0x12d: {  	[sflag:s16] =	ssyncadd.s32 @!p1 $0xFFFFFF00  }
0x12e: {  	_ =	swait.ge @!p1 [sflag:s16], $0x100  }
0x12f: {  	[sflag:s16] =	ssyncset.done @!p1 $0x0  }
0x130: {  	[sflag:s16] =	ssyncadd.s32 @!p1 $0xFFFFFF00  }
0x131: {  	_ =	swait.ge @!p1 [sflag:s16], $0x100  }
0x132: {  	[sflag:s16] =	ssyncset.done @!p1 $0x0  }
0x133: {  	[sflag:s16] =	ssyncadd.s32 @!p1 $0xFFFFFF00  }
0x134: {  	_ =	swait.ge @!p1 [sflag:s16], $0x100  }
0x135: {  	[sflag:s16] =	ssyncset.done @!p1 $0x0  }
0x136: {  	[sflag:s16] =	ssyncadd.s32 @!p1 $0xFFFFFF00  }
0x137: {  	_ =	swait.ge @!p1 [sflag:s16], $0x100  }
0x138: {  	[sflag:s16] =	ssyncset.done @!p1 $0x0  }
0x139: {  	[sflag:s16] =	ssyncadd.s32 @!p1 $0xFFFFFF00  }
0x13a: {  	_ =	swait.ge @!p1 [sflag:s16], $0x100  }
0x13b: {  	[sflag:s16] =	ssyncset.done @!p1 $0x0  }
0x13c: {  	[sflag:s16] =	ssyncadd.s32 @!p1 $0xFFFFFF00  }
0x13d: {  	_ =	swait.ge @!p1 [sflag:s16], $0x100  }
0x13e: {  	[sflag:s16] =	ssyncset.done @!p1 $0x0  }
0x13f: {  	[sflag:s16] =	ssyncadd.s32 @!p1 $0xFFFFFF00  }
0x140: {  	_ =	swait.ge @!p1 [sflag:s16], $0x100  }
0x141: {  	[sflag:s16] =	ssyncset.done @!p1 $0x0  }
0x142: {  	[sflag:s16] =	ssyncadd.s32 @!p1 $0xFFFFFF00  }
0x143: {  	_ =	swait.ge @!p1 [sflag:s16], $0x100  }
0x144: {  	[sflag:s16] =	ssyncset.done @!p1 $0x0  }
0x145: {  	[sflag:s16] =	ssyncadd.s32 @!p1 $0xFFFFFF00  }
0x146: {  	_ =	swait.ge @!p1 [sflag:s16], $0x100  }
0x147: {  	[sflag:s16] =	ssyncset.done @!p1 $0x0  }
0x148: {  	[sflag:s16] =	ssyncadd.s32 @!p1 $0xFFFFFF00  }
0x149: {  	_ =	swait.ge @!p1 [sflag:s16], $0x100  }
0x14a: {  	[sflag:s16] =	ssyncset.done @!p1 $0x0  }
0x14b: {  	s1 =	simm.s32 $0x1;
	[sflag:s16] =	ssyncadd.s32 @!p1 $0xFFFFFF00  }
0x14c: {  	_ =	swait.ge [sflag:s1], $0x100  }
0x14d: {  	[sflag:s1] =	ssyncset.done $0x0  }
0x14e: {  	[sflag:s1] =	ssyncadd.s32 $0xFFFFFF00  }
0x14f: {  	_ =	swait.ge [sflag:s1], $0x100  }
0x150: {  	[sflag:s1] =	ssyncset.done $0x0  }
0x151: {  	[sflag:s1] =	ssyncadd.s32 $0xFFFFFF00  }
0x152: {  	_ =	swait.ge [sflag:s1], $0x100  }
0x153: {  	[sflag:s1] =	ssyncset.done $0x0  }
0x154: {  	[sflag:s1] =	ssyncadd.s32 $0xFFFFFF00  }
0x155: {  	_ =	swait.ge [sflag:s1], $0x100  }
0x156: {  	[sflag:s1] =	ssyncset.done $0x0  }
0x157: {  	[sflag:s1] =	ssyncadd.s32 $0xFFFFFF00  }
0x158: {  	_ =	swait.ge [sflag:s1], $0x100  }
0x159: {  	[sflag:s1] =	ssyncset.done $0x0  }
0x15a: {  	[sflag:s1] =	ssyncadd.s32 $0xFFFFFF00  }
0x15b: {  	_ =	swait.ge [sflag:s1], $0x100  }
0x15c: {  	[sflag:s1] =	ssyncset.done $0x0  }
0x15d: {  	[sflag:s1] =	ssyncadd.s32 $0xFFFFFF00  }
0x15e: {  	_ =	swait.ge [sflag:s1], $0x100  }
0x15f: {  	[sflag:s1] =	ssyncset.done $0x0  }
0x160: {  	[sflag:s1] =	ssyncadd.s32 $0xFFFFFF00  }
0x161: {  	_ =	swait.ge [sflag:s1], $0x100  }
0x162: {  	[sflag:s1] =	ssyncset.done $0x0  }
0x163: {  	[sflag:s1] =	ssyncadd.s32 $0xFFFFFF00  }
0x164: {  	_ =	swait.ge [sflag:s1], $0x100  }
0x165: {  	[sflag:s1] =	ssyncset.done $0x0  }
0x166: {  	[sflag:s1] =	ssyncadd.s32 $0xFFFFFF00  }
0x167: {  	_ =	swait.ge [sflag:s1], $0x100  }
0x168: {  	[sflag:s1] =	ssyncset.done $0x0  }
0x169: {  	[sflag:s1] =	ssyncadd.s32 $0xFFFFFF00  }
0x16a: {  	_ =	swait.ge [sflag:s1], $0x100  }
0x16b: {  	[sflag:s1] =	ssyncset.done $0x0  }
0x16c: {  	[sflag:s1] =	ssyncadd.s32 $0xFFFFFF00  }
0x16d: {  	_ =	swait.ge [sflag:s1], $0x100  }
0x16e: {  	[sflag:s1] =	ssyncset.done $0x0  }
0x16f: {  	[sflag:s1] =	ssyncadd.s32 $0xFFFFFF00  }
0x170: {  	_ =	swait.ge [sflag:s1], $0x100  }
0x171: {  	[sflag:s1] =	ssyncset.done $0x0  }
0x172: {  	[sflag:s1] =	ssyncadd.s32 $0xFFFFFF00  }
0x173: {  	_ =	swait.ge [sflag:s1], $0x100  }
0x174: {  	[sflag:s1] =	ssyncset.done $0x0  }
0x175: {  	[sflag:s1] =	ssyncadd.s32 $0xFFFFFF00  }
0x176: {  	_ =	swait.ge [sflag:s1], $0x100  }
0x177: {  	[sflag:s1] =	ssyncset.done $0x0  }
0x178: {  	[sflag:s1] =	ssyncadd.s32 $0xFFFFFF00  }
0x179: {  	_ =	swait.ge [sflag:s1], $0x100  }
0x17a: {  	[sflag:s1] =	ssyncset.done $0x0  }
0x17b: {  	[sflag:s1] =	ssyncadd.s32 $0xFFFFFF00  }
0x17c: {  	_ =	swait.ge [sflag:s1], $0x100  }
0x17d: {  	[sflag:s1] =	ssyncset.done $0x0  }
0x17e: {  	[sflag:s1] =	ssyncadd.s32 $0xFFFFFF00  }
0x17f: {  	_ =	swait.ge [sflag:s1], $0x100  }
0x180: {  	[sflag:s1] =	ssyncset.done $0x0  }
0x181: {  	[sflag:s1] =	ssyncadd.s32 $0xFFFFFF00  }
0x182: {  	_ =	swait.ge [sflag:s1], $0x100  }
0x183: {  	[sflag:s1] =	ssyncset.done $0x0  }
0x184: {  	[sflag:s1] =	ssyncadd.s32 $0xFFFFFF00  }
0x185: {  	_ =	swait.ge [sflag:s1], $0x100  }
0x186: {  	[sflag:s1] =	ssyncset.done $0x0  }
0x187: {  	[sflag:s1] =	ssyncadd.s32 $0xFFFFFF00  }
0x188: {  	_ =	swait.ge [sflag:s1], $0x100  }
0x189: {  	[sflag:s1] =	ssyncset.done $0x0  }
0x18a: {  	[sflag:s1] =	ssyncadd.s32 $0xFFFFFF00  }
0x18b: {  	_ =	swait.ge [sflag:s1], $0x100  }
0x18c: {  	[sflag:s1] =	ssyncset.done $0x0  }
0x18d: {  	[sflag:s1] =	ssyncadd.s32 $0xFFFFFF00  }
0x18e: {  	_ =	swait.ge [sflag:s1], $0x100  }
0x18f: {  	[sflag:s1] =	ssyncset.done $0x0  }
0x190: {  	[sflag:s1] =	ssyncadd.s32 $0xFFFFFF00  }
0x191: {  	_ =	swait.ge [sflag:s1], $0x100  }
0x192: {  	[sflag:s1] =	ssyncset.done $0x0  }
0x193: {  	[sflag:s1] =	ssyncadd.s32 $0xFFFFFF00  }
0x194: {  	_ =	swait.ge [sflag:s1], $0x100  }
0x195: {  	[sflag:s1] =	ssyncset.done $0x0  }
0x196: {  	[sflag:s1] =	ssyncadd.s32 $0xFFFFFF00  }
0x197: {  	_ =	swait.ge [sflag:s1], $0x100  }
0x198: {  	[sflag:s1] =	ssyncset.done $0x0  }
0x199: {  	[sflag:s1] =	ssyncadd.s32 $0xFFFFFF00  }
0x19a: {  	_ =	swait.ge [sflag:s1], $0x100  }
0x19b: {  	[sflag:s1] =	ssyncset.done $0x0  }
0x19c: {  	[sflag:s1] =	ssyncadd.s32 $0xFFFFFF00  }
0x19d: {  	_ =	swait.ge [sflag:s1], $0x100  }
0x19e: {  	[sflag:s1] =	ssyncset.done $0x0  }
0x19f: {  	[sflag:s1] =	ssyncadd.s32 $0xFFFFFF00  }
0x1a0: {  	_ =	swait.ge [sflag:s1], $0x100  }
0x1a1: {  	[sflag:s1] =	ssyncset.done $0x0  }
0x1a2: {  	[sflag:s1] =	ssyncadd.s32 $0xFFFFFF00  }
0x1a3: {  	_ =	swait.ge [sflag:s1], $0x100  }
0x1a4: {  	[sflag:s1] =	ssyncset.done $0x0  }
0x1a5: {  	[sflag:s1] =	ssyncadd.s32 $0xFFFFFF00  }
0x1a6: {  	_ =	swait.ge [sflag:s1], $0x100  }
0x1a7: {  	[sflag:s1] =	ssyncset.done $0x0  }
0x1a8: {  	[sflag:s1] =	ssyncadd.s32 $0xFFFFFF00  }
0x1a9: {  	_ =	swait.ge [sflag:s1], $0x100  }
0x1aa: {  	s2 =	sld [smem:$0x7FB]  }
0x1ab: {  	s0 =	sld [smem:$0x7FD];
	_ =	sdelay $0x1  }
0x1ac: {  	s2 =	sadd.s32 $0x1, s2  }
0x1ad: {  	p0 =	sne.s32 s2, s0  }
.Ltmp1:
0x1ae: {  	_ = 	snop;
	(pc) =	sbr.rel @p0 .LBB2_1-.Ltmp1, $3  }
0x1af: {  	_ =	sdelay $0x1  }
0x1b0: {  	[sflag:s1] =	ssyncset.done $0x0  }
0x1b1: {  	[sflag:s1] =	ssyncadd.s32 $0xFFFFFF00  }
0x1b2: {  	_ =	sfence.sel $0x180000  }
0x1b3: {  	[bflag:$0x0] =	sbarrier.arrive $0xFFFF  }
0x1b4: {  	_ =	strace $0x90000047  }
0x1b5: {  	s0 =	stileid.u32;
	[bflag:$0x2] =	sbarrier.arrive $0xFFFF  }
0x1b6: {  	p0 =	sne.s32 s0, $0x0;
	s0 =	rddreg [dreg:$0x3]  }
0x1b7: {  	s0 =	sadd.s32 @!p0 $0x100000, s0  }
0x1b8: {  	[sflag:s0] =	ssyncadd.tile.s32 @!p0 $0x1;
	_ =	shalt  }
.Lfunc_end2:
_tile_overlayer_lowered:
.L_overlay_start_2:
0x1b9: {  	(tag) =	ssettag $0x2  }
0x1ba: {  	s0 =	rddreg [dreg:$0x0];
	s2 =	stileid.u32  }
0x1bb: {  	s1 =	rddreg [dreg:$0x1];
	p0 =	sne.s32 s2, $0x0  }
0x1bc: {  	s3 =	rddreg [dreg:$0x2];
	[bflag:$0x3] =	sbarrier.arrive $0xFFFF;
	s2 =	simm.s32 @!p0 $0x1C02  }
0x1bd: {  	[timem:s3], [sflag:s2] =	dma.local @!p0 [hbm:s0], s1  }
0x1be: {  	s0 =	simm.s32 @!p0 $0x2  }
0x1bf: {  	_ =	swait.ge @!p0 [sflag:s0], s1  }
0x1c0: {  	s1 =	ssub.s32 @!p0 $0x0, s1;
	[sflag:s0] =	ssyncset.done @!p0 $0x0  }
0x1c1: {  	[sflag:s0] =	ssyncadd.s32 @!p0 s1  }
0x1c2: {  	[bflag:$0x3] =	sbarrier.arrive $0xFFFF  }
0x1c3: {  	_ =	shalt  }

</sc_bundles>
